<compile_context>
chip_gen: v7x
topology: tpu7x:2x2x1
jax: 0.10.2.dev20260603
libtpu: 0.0.44.dev20260713+nightly
codegen_flags: <defaults>
</compile_context>

<pallas_src>
import functools

import jax
import jax.numpy as jnp
from jax import lax
from jax.experimental import pallas as pl
from jax.experimental.pallas import tpu as pltpu
from jax.experimental.pallas import tpu_sc as plsc

N_NODES = 10000
N_EDGES = 320000
D = 128

NC = 2
NS = 16
NW = NC * NS
N_PAD = 10240
ROWS_PER_TILE = N_PAD // NS

_MESH = plsc.VectorSubcoreMesh(
    core_axis_name="c", subcore_axis_name="s", num_cores=NC, num_subcores=NS
)


DEG_EBLK = 8000
DEG_GRID = N_EDGES // DEG_EBLK


def _deg_mm_body(dst_ref, src_ref, out_ref, pk_ref):
    i = pl.program_id(0)
    d2 = dst_ref[0]
    q = (d2 // 128).astype(jnp.int8)
    r = (d2 % 128).astype(jnp.int8)
    iq = jnp.broadcast_to(
        lax.broadcasted_iota(jnp.int32, (80, 1), 0).astype(jnp.int8),
        (80, DEG_EBLK))
    ir = jnp.broadcast_to(
        lax.broadcasted_iota(jnp.int32, (128, 1), 0).astype(jnp.int8),
        (128, DEG_EBLK))
    qt = (jnp.broadcast_to(q, (80, DEG_EBLK)) == iq).astype(jnp.int8)
    ot = (jnp.broadcast_to(r, (128, DEG_EBLK)) == ir).astype(jnp.int8)
    blk = lax.dot_general(qt, ot, (((1,), (1,)), ((), ())),
                          preferred_element_type=jnp.int32).astype(jnp.float32)

    @pl.when(i == 0)
    def _():
        out_ref[...] = jnp.zeros_like(out_ref)

    out_ref[...] += blk
    pk_ref[...] = jnp.bitwise_or(lax.shift_left(src_ref[...], 14), dst_ref[...])


def _deg_matmul(dst3, src3):
    return pl.pallas_call(
        _deg_mm_body,
        grid=(DEG_GRID,),
        in_specs=[pl.BlockSpec((1, 1, DEG_EBLK), lambda i: (i, 0, 0)),
                  pl.BlockSpec((1, 1, DEG_EBLK), lambda i: (i, 0, 0))],
        out_specs=[pl.BlockSpec((80, 128), lambda i: (0, 0)),
                   pl.BlockSpec((1, 1, DEG_EBLK), lambda i: (i, 0, 0))],
        out_shape=[jax.ShapeDtypeStruct((80, 128), jnp.float32),
                   jax.ShapeDtypeStruct((DEG_GRID, 1, DEG_EBLK), jnp.int32)],
    )(dst3, src3)


EDGE_CHUNK = 128
EDGES_PER_W = 80 * 128
E_PAD = NW * EDGES_PER_W
N_CHUNK = EDGES_PER_W // EDGE_CHUNK
_MASK14 = (1 << 14) - 1


def _agg_body(g_hbm, pk_hbm, out_hbm, pkv, idxb, rows_a, rows_b,
              acc_sh, sem_a, sem_b):
    c = lax.axis_index("c")
    s = lax.axis_index("s")
    w = s * NC + c

    def zfill(r, _):
        rows_a[r // 8, pl.ds((r % 8) * 16, 16)] = jnp.zeros((16,), jnp.float32)
        return 0

    lax.fori_loop(0, EDGE_CHUNK * 8, zfill, 0)
    for k in range(ROWS_PER_TILE // EDGE_CHUNK):
        pltpu.sync_copy(
            rows_a, acc_sh.at[pl.ds(s * ROWS_PER_TILE + k * EDGE_CHUNK, EDGE_CHUNK)]
        )
    plsc.subcore_barrier()

    pltpu.sync_copy(pk_hbm.at[w], pkv)

    def unpack(j, half):
        for k in range(8):
            v = pkv[j, pl.ds(k * 16, 16)]
            idxb[2 * half, pl.ds(k * 16, 16)] = lax.shift_right_logical(v, 14)
            idxb[2 * half + 1, pl.ds(k * 16, 16)] = v & _MASK14

    def gather(buf, half, sem):
        pltpu.async_copy(g_hbm.at[idxb.at[2 * half]], buf, sem)

    def wait(buf, half, sem):
        pltpu.make_async_copy(g_hbm.at[idxb.at[2 * half]], buf, sem).wait()

    def scatter(buf, half):
        pltpu.sync_copy(buf, acc_sh.at[idxb.at[2 * half + 1]], add=True)

    unpack(0, 0)
    gather(rows_a, 0, sem_a)

    def body(t, _):
        j = 2 * t
        unpack(j + 1, 1)
        gather(rows_b, 1, sem_b)
        wait(rows_a, 0, sem_a)
        scatter(rows_a, 0)
        unpack(j + 2, 0)
        gather(rows_a, 0, sem_a)
        wait(rows_b, 1, sem_b)
        scatter(rows_b, 1)
        return 0

    lax.fori_loop(0, N_CHUNK // 2 - 1, body, 0)
    unpack(N_CHUNK - 1, 1)
    gather(rows_b, 1, sem_b)
    wait(rows_a, 0, sem_a)
    scatter(rows_a, 0)
    wait(rows_b, 1, sem_b)
    scatter(rows_b, 1)
    plsc.subcore_barrier()

    pltpu.sync_copy(
        acc_sh.at[pl.ds(s * ROWS_PER_TILE, ROWS_PER_TILE)],
        out_hbm.at[c, pl.ds(s * ROWS_PER_TILE, ROWS_PER_TILE)],
    )


_agg_kernel = functools.partial(
    pl.kernel,
    out_type=jax.ShapeDtypeStruct((NC, N_PAD, D), jnp.float32),
    mesh=_MESH,
    scratch_types=[
        pltpu.VMEM((N_CHUNK, EDGE_CHUNK), jnp.int32),
        pltpu.VMEM((8, EDGE_CHUNK), jnp.int32),
        pltpu.VMEM((EDGE_CHUNK, D), jnp.float32),
        pltpu.VMEM((EDGE_CHUNK, D), jnp.float32),
        pltpu.VMEM_SHARED((N_PAD, D), jnp.float32),
        pltpu.SemaphoreType.DMA,
        pltpu.SemaphoreType.DMA,
    ],
)(_agg_body)


_BLK = 1024
_GRID = N_PAD // _BLK


def _mm_body(x_ref, w_ref, deg_ref, g_ref, d_ref):
    d = lax.rsqrt(deg_ref[...] + 1.0)
    d_ref[...] = d
    g_ref[...] = jnp.dot(x_ref[...], w_ref[...], preferred_element_type=jnp.float32) * d


def _tc_matmul(x_pad, W, deg_col):
    return pl.pallas_call(
        _mm_body,
        grid=(_GRID,),
        in_specs=[
            pl.BlockSpec((_BLK, D), lambda i: (i, 0)),
            pl.BlockSpec((D, D), lambda i: (0, 0)),
            pl.BlockSpec((_BLK, 1), lambda i: (i, 0)),
        ],
        out_specs=[
            pl.BlockSpec((_BLK, D), lambda i: (i, 0)),
            pl.BlockSpec((_BLK, 1), lambda i: (i, 0)),
        ],
        out_shape=[
            jax.ShapeDtypeStruct((N_PAD, D), jnp.float32),
            jax.ShapeDtypeStruct((N_PAD, 1), jnp.float32),
        ],
    )(x_pad, W, deg_col)


def _fin_body(acc_ref, g_ref, d_ref, b_ref, out_ref):
    tot = acc_ref[0] + acc_ref[1] + g_ref[...]
    out_ref[...] = d_ref[...] * tot + b_ref[...]


def _tc_finish(accp, g, d_col, b2):
    return pl.pallas_call(
        _fin_body,
        grid=(_GRID,),
        in_specs=[
            pl.BlockSpec((NC, _BLK, D), lambda i: (0, i, 0)),
            pl.BlockSpec((_BLK, D), lambda i: (i, 0)),
            pl.BlockSpec((_BLK, 1), lambda i: (i, 0)),
            pl.BlockSpec((1, D), lambda i: (0, 0)),
        ],
        out_specs=pl.BlockSpec((_BLK, D), lambda i: (i, 0)),
        out_shape=jax.ShapeDtypeStruct((N_PAD, D), jnp.float32),
    )(accp, g, d_col, b2)


@jax.jit
def _impl(x, edge_index, W, b):
    dst3 = edge_index[1].reshape(DEG_GRID, 1, DEG_EBLK)
    src3 = edge_index[0].reshape(DEG_GRID, 1, DEG_EBLK)
    x_pad = jnp.concatenate(
        [x, jnp.zeros((N_PAD - N_NODES, D), jnp.float32)], axis=0
    )
    degmat, packed3 = _deg_matmul(dst3, src3)
    deg_col = degmat.reshape(N_PAD, 1)
    g, d_col = _tc_matmul(x_pad, W, deg_col)
    fake = 10000 + (jnp.arange(E_PAD - N_EDGES, dtype=jnp.int32) % (N_PAD - N_NODES))
    pk_pad = jnp.concatenate(
        [packed3.reshape(N_EDGES), jnp.bitwise_or(lax.shift_left(fake, 14), fake)]
    ).reshape(NW, N_CHUNK, EDGE_CHUNK)
    accp = _agg_kernel(g, pk_pad)
    out_pad = _tc_finish(accp, g, d_col, b.reshape(1, D))
    return out_pad[:N_NODES]


def kernel(x, edge_index, W, b):
    return _impl(x, edge_index, W, b)

# --- scband reference (transcript-rebuilt; emitter-appended) ---
"""Pipeline reference for scband-gnnmodel-2680059593455 (READ-ONLY COPY).

The authoritative reference and input builder live on the scoring server;
editing this copy changes nothing except your own understanding.
"""

import jax, jax.numpy as jnp
import numpy as np

N_NODES = 10000
N_EDGES = 320000
D_IN = 128
D_OUT = 128


def setup_inputs(seed: int = 0) -> dict:
    key = jax.random.key(seed)
    k1, k2, k3 = jax.random.split(key, 3)
    x = jax.random.normal(k1, (N_NODES, D_IN), dtype=jnp.float32)
    edge_index = jax.random.randint(k2, (2, N_EDGES), 0, N_NODES, dtype=jnp.int32)
    # GCNConv learned parameters (glorot-style init for weight, zeros for bias)
    W = jax.random.normal(k3, (D_IN, D_OUT), dtype=jnp.float32) * (1.0 / np.sqrt(D_IN))
    b = jnp.zeros((D_OUT,), dtype=jnp.float32)
    return {"x": x, "edge_index": edge_index, "W": W, "b": b}


def reference(x, edge_index, W, b):
    # Faithful GCNConv (add_self_loops=True, normalize=True):
    # out = D^{-1/2} (A + I) D^{-1/2} X W + b
    n = x.shape[0]
    src = edge_index[0]
    dst = edge_index[1]
    loop = jnp.arange(n, dtype=src.dtype)
    src = jnp.concatenate([src, loop])
    dst = jnp.concatenate([dst, loop])
    # degree computed on destination nodes (gcn_norm, flow source_to_target)
    deg = jax.ops.segment_sum(jnp.ones_like(src, dtype=x.dtype), dst, num_segments=n)
    deg_inv_sqrt = jnp.where(deg > 0, 1.0 / jnp.sqrt(deg), 0.0)
    norm = deg_inv_sqrt[src] * deg_inv_sqrt[dst]
    # linear transform first, then propagate (gather + scatter-add)
    h = x @ W
    msgs = norm[:, None] * jnp.take(h, src, axis=0)
    out = jax.ops.segment_sum(msgs, dst, num_segments=n) + b
    return out

if __name__ == "__main__":
    import jax
    _d = setup_inputs()
    print(jax.jit(kernel)(*tuple(_d.values())))

</pallas_src>

<mosaic_0001>
#map = affine_map<(d0, d1) -> (0, 0)>
#map1 = affine_map<(d0, d1) -> (0, 0, 0)>
module attributes {stable_mosaic.version = 14 : i64} {
  func.func @_agg_body(%arg0: i32, %arg1: i32, %arg2: memref<10240x128xf32, #tpu.memory_space<hbm>>, %arg3: memref<32x80x128xi32, #tpu.memory_space<hbm>>, %arg4: memref<2x10240x128xf32, #tpu.memory_space<hbm>>, %arg5: memref<80x128xi32, #tpu.memory_space<vmem>>, %arg6: memref<8x128xi32, #tpu.memory_space<vmem>>, %arg7: memref<128x128xf32, #tpu.memory_space<vmem>>, %arg8: memref<128x128xf32, #tpu.memory_space<vmem>>, %arg9: memref<10240x128xf32, #tpu.memory_space<vmem_shared>>, %arg10: memref<!tpu.dma_semaphore, #tpu.memory_space<semaphore_mem>>, %arg11: memref<!tpu.dma_semaphore, #tpu.memory_space<semaphore_mem>>) attributes {dimension_semantics = [#tpu.dimension_semantics<core_parallel>, #tpu.dimension_semantics<subcore_parallel>], iteration_bounds = array<i64: 2, 16>, scalar_prefetch = 0 : i64, scratch_operands = 7 : i64, tpu.core_type = #tpu.core_type<sc_vector_subcore>, window_params = [{transform_indices = #map}, {transform_indices = #map1}, {transform_indices = #map1}]} {
    %mul3A = arith.constant 2 : i32
    %mul3A_0 = arith.muli %arg1, %mul3A : i32
    %add3A = arith.addi %mul3A_0, %arg0 : i32
    %scan3A = arith.constant 0 : i32
    %scan3A_1 = arith.constant 0 : i32
    %scan3A_2 = arith.constant 1024 : i32
    %scan3A_3 = arith.addi %scan3A_1, %scan3A_2 : i32
    %scan3A_4 = arith.constant 1 : i32
    %scan3A_5 = scf.for %scan3A_430 = %scan3A_1 to %scan3A_3 step %scan3A_4 iter_args(%scan3A_431 = %scan3A) -> (i32)  : i32 {
      %broadcast_in_dim3A = arith.constant 0.000000e+00 : f32
      %broadcast_in_dim3A_432 = vector.broadcast %broadcast_in_dim3A : f32 to vector<16xf32>
      %jit3A = arith.constant 8 : i32
      %div3A = arith.divsi %scan3A_430, %jit3A : i32
      %sign3A = arith.constant 0 : i32
      %sign3A_433 = arith.cmpi sgt, %scan3A_430, %sign3A : i32
      %sign3A_434 = arith.extui %sign3A_433 : i1 to i32
      %sign3A_435 = arith.constant 0 : i32
      %sign3A_436 = arith.cmpi slt, %scan3A_430, %sign3A_435 : i32
      %sign3A_437 = arith.extui %sign3A_436 : i1 to i32
      %sign3A_438 = arith.subi %sign3A_434, %sign3A_437 : i32
      %sign3A_439 = arith.constant 0 : i32
      %sign3A_440 = arith.cmpi sgt, %jit3A, %sign3A_439 : i32
      %sign3A_441 = arith.extui %sign3A_440 : i1 to i32
      %sign3A_442 = arith.constant 0 : i32
      %sign3A_443 = arith.cmpi slt, %jit3A, %sign3A_442 : i32
      %sign3A_444 = arith.extui %sign3A_443 : i1 to i32
      %sign3A_445 = arith.subi %sign3A_441, %sign3A_444 : i32
      %ne3A = arith.cmpi ne, %sign3A_438, %sign3A_445 : i32
      %rem3A = arith.remsi %scan3A_430, %jit3A : i32
      %ne3A_446 = arith.constant 0 : i32
      %ne3A_447 = arith.cmpi ne, %rem3A, %ne3A_446 : i32
      %and3A_448 = arith.andi %ne3A, %ne3A_447 : i1
      %sub3A = arith.constant 1 : i32
      %sub3A_449 = arith.subi %div3A, %sub3A : i32
      %select_n3A = arith.select %and3A_448, %sub3A_449, %div3A : i32
      %jit3A_450 = arith.constant 8 : i32
      %eq3A = arith.constant 0 : i32
      %eq3A_451 = arith.cmpi eq, %jit3A_450, %eq3A : i32
      %jit3A_452 = arith.constant 1 : i32
      %select_n3A_453 = arith.select %eq3A_451, %jit3A_452, %jit3A_450 : i32
      %rem3A_454 = arith.remsi %scan3A_430, %select_n3A_453 : i32
      %ne3A_455 = arith.constant 0 : i32
      %ne3A_456 = arith.cmpi ne, %rem3A_454, %ne3A_455 : i32
      %lt3A = arith.constant 0 : i32
      %lt3A_457 = arith.cmpi slt, %rem3A_454, %lt3A : i32
      %lt3A_458 = arith.constant 0 : i32
      %lt3A_459 = arith.cmpi slt, %select_n3A_453, %lt3A_458 : i32
      %ne3A_460 = arith.xori %lt3A_457, %lt3A_459 : i1
      %and3A_461 = arith.andi %ne3A_460, %ne3A_456 : i1
      %add3A_462 = arith.addi %rem3A_454, %select_n3A_453 : i32
      %select_n3A_463 = arith.select %and3A_461, %add3A_462, %rem3A_454 : i32
      %mul3A_464 = arith.constant 16 : i32
      %mul3A_465 = arith.muli %select_n3A_463, %mul3A_464 : i32
      %swap3A_466 = arith.index_cast %select_n3A : i32 to index
      %swap3A_467 = arith.index_cast %mul3A_465 : i32 to index
      %swap3A_468 = tpu.vector_load %arg7[%swap3A_466, %swap3A_467] {strides = array<i32>} : memref<128x128xf32, #tpu.memory_space<vmem>>, vector<1x16xf32>,
      %swap3A_469 = vector.shape_cast %swap3A_468 : vector<1x16xf32> to vector<16xf32>
      %swap3A_470 = vector.shape_cast %broadcast_in_dim3A_432 : vector<16xf32> to vector<1x16xf32>
      tpu.vector_store %arg7[%swap3A_466, %swap3A_467], %swap3A_470 {strides = array<i32>} : memref<128x128xf32, #tpu.memory_space<vmem>>, vector<1x16xf32>,
      %scan3A_471 = arith.constant 0 : i32
      scf.yield %scan3A_471 : i32
    }
    %scan3A_6 = arith.constant 1024 : i32
    %mul3A_7 = arith.constant 640 : i32
    %mul3A_8 = arith.muli %arg1, %mul3A_7 : i32
    %add3A_9 = arith.constant 0 : i32
    %add3A_10 = arith.addi %mul3A_8, %add3A_9 : i32
    "tpu.region"() ({
      %run_scoped3A_430 = tpu.sem_alloc : memref<!tpu.dma_semaphore, #tpu.memory_space<semaphore_mem>>
      %dma_start3A_431 = arith.constant 0 : i32
      %dma_start3A_432 = tpu.memref_slice %arg9[%add3A_10, %dma_start3A_431] : memref<10240x128xf32, #tpu.memory_space<vmem_shared>> -> memref<128x128xf32, #tpu.memory_space<vmem_shared>>
      %dma_start3A_433 = arith.constant 0 : i32
      %dma_start3A_434 = tpu.memref_slice %arg9[%add3A_10, %dma_start3A_433] : memref<10240x128xf32, #tpu.memory_space<vmem_shared>> -> memref<128x128xf32, #tpu.memory_space<vmem_shared>>
      tpu.enqueue_dma source(%arg7 : memref<128x128xf32, #tpu.memory_space<vmem>>) target(%dma_start3A_434 : memref<128x128xf32, #tpu.memory_space<vmem_shared>>) target_semaphore(%run_scoped3A_430 : memref<!tpu.dma_semaphore, #tpu.memory_space<semaphore_mem>>)
      %dma_wait3A_435 = arith.constant 0 : i32
      %dma_wait3A_436 = tpu.memref_slice %arg9[%add3A_10, %dma_wait3A_435] : memref<10240x128xf32, #tpu.memory_space<vmem_shared>> -> memref<128x128xf32, #tpu.memory_space<vmem_shared>>
      %dma_wait3A_437 = arith.constant 0 : i32
      %dma_wait3A_438 = tpu.memref_slice %arg9[%add3A_10, %dma_wait3A_437] : memref<10240x128xf32, #tpu.memory_space<vmem_shared>> -> memref<128x128xf32, #tpu.memory_space<vmem_shared>>
      tpu.wait_dma2 semaphore(%run_scoped3A_430 : memref<!tpu.dma_semaphore, #tpu.memory_space<semaphore_mem>>) src(%arg7 : memref<128x128xf32, #tpu.memory_space<vmem>>) dst(%dma_wait3A_438 : memref<128x128xf32, #tpu.memory_space<vmem_shared>>)
      tpu.yield
    }) : () -> ()
    %mul3A_11 = arith.constant 640 : i32
    %mul3A_12 = arith.muli %arg1, %mul3A_11 : i32
    %add3A_13 = arith.constant 128 : i32
    %add3A_14 = arith.addi %mul3A_12, %add3A_13 : i32
    "tpu.region"() ({
      %run_scoped3A_430 = tpu.sem_alloc : memref<!tpu.dma_semaphore, #tpu.memory_space<semaphore_mem>>
      %dma_start3A_431 = arith.constant 0 : i32
      %dma_start3A_432 = tpu.memref_slice %arg9[%add3A_14, %dma_start3A_431] : memref<10240x128xf32, #tpu.memory_space<vmem_shared>> -> memref<128x128xf32, #tpu.memory_space<vmem_shared>>
      %dma_start3A_433 = arith.constant 0 : i32
      %dma_start3A_434 = tpu.memref_slice %arg9[%add3A_14, %dma_start3A_433] : memref<10240x128xf32, #tpu.memory_space<vmem_shared>> -> memref<128x128xf32, #tpu.memory_space<vmem_shared>>
      tpu.enqueue_dma source(%arg7 : memref<128x128xf32, #tpu.memory_space<vmem>>) target(%dma_start3A_434 : memref<128x128xf32, #tpu.memory_space<vmem_shared>>) target_semaphore(%run_scoped3A_430 : memref<!tpu.dma_semaphore, #tpu.memory_space<semaphore_mem>>)
      %dma_wait3A_435 = arith.constant 0 : i32
      %dma_wait3A_436 = tpu.memref_slice %arg9[%add3A_14, %dma_wait3A_435] : memref<10240x128xf32, #tpu.memory_space<vmem_shared>> -> memref<128x128xf32, #tpu.memory_space<vmem_shared>>
      %dma_wait3A_437 = arith.constant 0 : i32
      %dma_wait3A_438 = tpu.memref_slice %arg9[%add3A_14, %dma_wait3A_437] : memref<10240x128xf32, #tpu.memory_space<vmem_shared>> -> memref<128x128xf32, #tpu.memory_space<vmem_shared>>
      tpu.wait_dma2 semaphore(%run_scoped3A_430 : memref<!tpu.dma_semaphore, #tpu.memory_space<semaphore_mem>>) src(%arg7 : memref<128x128xf32, #tpu.memory_space<vmem>>) dst(%dma_wait3A_438 : memref<128x128xf32, #tpu.memory_space<vmem_shared>>)
      tpu.yield
    }) : () -> ()
    %mul3A_15 = arith.constant 640 : i32
    %mul3A_16 = arith.muli %arg1, %mul3A_15 : i32
    %add3A_17 = arith.constant 256 : i32
    %add3A_18 = arith.addi %mul3A_16, %add3A_17 : i32
    "tpu.region"() ({
      %run_scoped3A_430 = tpu.sem_alloc : memref<!tpu.dma_semaphore, #tpu.memory_space<semaphore_mem>>
      %dma_start3A_431 = arith.constant 0 : i32
      %dma_start3A_432 = tpu.memref_slice %arg9[%add3A_18, %dma_start3A_431] : memref<10240x128xf32, #tpu.memory_space<vmem_shared>> -> memref<128x128xf32, #tpu.memory_space<vmem_shared>>
      %dma_start3A_433 = arith.constant 0 : i32
      %dma_start3A_434 = tpu.memref_slice %arg9[%add3A_18, %dma_start3A_433] : memref<10240x128xf32, #tpu.memory_space<vmem_shared>> -> memref<128x128xf32, #tpu.memory_space<vmem_shared>>
      tpu.enqueue_dma source(%arg7 : memref<128x128xf32, #tpu.memory_space<vmem>>) target(%dma_start3A_434 : memref<128x128xf32, #tpu.memory_space<vmem_shared>>) target_semaphore(%run_scoped3A_430 : memref<!tpu.dma_semaphore, #tpu.memory_space<semaphore_mem>>)
      %dma_wait3A_435 = arith.constant 0 : i32
      %dma_wait3A_436 = tpu.memref_slice %arg9[%add3A_18, %dma_wait3A_435] : memref<10240x128xf32, #tpu.memory_space<vmem_shared>> -> memref<128x128xf32, #tpu.memory_space<vmem_shared>>
      %dma_wait3A_437 = arith.constant 0 : i32
      %dma_wait3A_438 = tpu.memref_slice %arg9[%add3A_18, %dma_wait3A_437] : memref<10240x128xf32, #tpu.memory_space<vmem_shared>> -> memref<128x128xf32, #tpu.memory_space<vmem_shared>>
      tpu.wait_dma2 semaphore(%run_scoped3A_430 : memref<!tpu.dma_semaphore, #tpu.memory_space<semaphore_mem>>) src(%arg7 : memref<128x128xf32, #tpu.memory_space<vmem>>) dst(%dma_wait3A_438 : memref<128x128xf32, #tpu.memory_space<vmem_shared>>)
      tpu.yield
    }) : () -> ()
    %mul3A_19 = arith.constant 640 : i32
    %mul3A_20 = arith.muli %arg1, %mul3A_19 : i32
    %add3A_21 = arith.constant 384 : i32
    %add3A_22 = arith.addi %mul3A_20, %add3A_21 : i32
    "tpu.region"() ({
      %run_scoped3A_430 = tpu.sem_alloc : memref<!tpu.dma_semaphore, #tpu.memory_space<semaphore_mem>>
      %dma_start3A_431 = arith.constant 0 : i32
      %dma_start3A_432 = tpu.memref_slice %arg9[%add3A_22, %dma_start3A_431] : memref<10240x128xf32, #tpu.memory_space<vmem_shared>> -> memref<128x128xf32, #tpu.memory_space<vmem_shared>>
      %dma_start3A_433 = arith.constant 0 : i32
      %dma_start3A_434 = tpu.memref_slice %arg9[%add3A_22, %dma_start3A_433] : memref<10240x128xf32, #tpu.memory_space<vmem_shared>> -> memref<128x128xf32, #tpu.memory_space<vmem_shared>>
      tpu.enqueue_dma source(%arg7 : memref<128x128xf32, #tpu.memory_space<vmem>>) target(%dma_start3A_434 : memref<128x128xf32, #tpu.memory_space<vmem_shared>>) target_semaphore(%run_scoped3A_430 : memref<!tpu.dma_semaphore, #tpu.memory_space<semaphore_mem>>)
      %dma_wait3A_435 = arith.constant 0 : i32
      %dma_wait3A_436 = tpu.memref_slice %arg9[%add3A_22, %dma_wait3A_435] : memref<10240x128xf32, #tpu.memory_space<vmem_shared>> -> memref<128x128xf32, #tpu.memory_space<vmem_shared>>
      %dma_wait3A_437 = arith.constant 0 : i32
      %dma_wait3A_438 = tpu.memref_slice %arg9[%add3A_22, %dma_wait3A_437] : memref<10240x128xf32, #tpu.memory_space<vmem_shared>> -> memref<128x128xf32, #tpu.memory_space<vmem_shared>>
      tpu.wait_dma2 semaphore(%run_scoped3A_430 : memref<!tpu.dma_semaphore, #tpu.memory_space<semaphore_mem>>) src(%arg7 : memref<128x128xf32, #tpu.memory_space<vmem>>) dst(%dma_wait3A_438 : memref<128x128xf32, #tpu.memory_space<vmem_shared>>)
      tpu.yield
    }) : () -> ()
    %mul3A_23 = arith.constant 640 : i32
    %mul3A_24 = arith.muli %arg1, %mul3A_23 : i32
    %add3A_25 = arith.constant 512 : i32
    %add3A_26 = arith.addi %mul3A_24, %add3A_25 : i32
    "tpu.region"() ({
      %run_scoped3A_430 = tpu.sem_alloc : memref<!tpu.dma_semaphore, #tpu.memory_space<semaphore_mem>>
      %dma_start3A_431 = arith.constant 0 : i32
      %dma_start3A_432 = tpu.memref_slice %arg9[%add3A_26, %dma_start3A_431] : memref<10240x128xf32, #tpu.memory_space<vmem_shared>> -> memref<128x128xf32, #tpu.memory_space<vmem_shared>>
      %dma_start3A_433 = arith.constant 0 : i32
      %dma_start3A_434 = tpu.memref_slice %arg9[%add3A_26, %dma_start3A_433] : memref<10240x128xf32, #tpu.memory_space<vmem_shared>> -> memref<128x128xf32, #tpu.memory_space<vmem_shared>>
      tpu.enqueue_dma source(%arg7 : memref<128x128xf32, #tpu.memory_space<vmem>>) target(%dma_start3A_434 : memref<128x128xf32, #tpu.memory_space<vmem_shared>>) target_semaphore(%run_scoped3A_430 : memref<!tpu.dma_semaphore, #tpu.memory_space<semaphore_mem>>)
      %dma_wait3A_435 = arith.constant 0 : i32
      %dma_wait3A_436 = tpu.memref_slice %arg9[%add3A_26, %dma_wait3A_435] : memref<10240x128xf32, #tpu.memory_space<vmem_shared>> -> memref<128x128xf32, #tpu.memory_space<vmem_shared>>
      %dma_wait3A_437 = arith.constant 0 : i32
      %dma_wait3A_438 = tpu.memref_slice %arg9[%add3A_26, %dma_wait3A_437] : memref<10240x128xf32, #tpu.memory_space<vmem_shared>> -> memref<128x128xf32, #tpu.memory_space<vmem_shared>>
      tpu.wait_dma2 semaphore(%run_scoped3A_430 : memref<!tpu.dma_semaphore, #tpu.memory_space<semaphore_mem>>) src(%arg7 : memref<128x128xf32, #tpu.memory_space<vmem>>) dst(%dma_wait3A_438 : memref<128x128xf32, #tpu.memory_space<vmem_shared>>)
      tpu.yield
    }) : () -> ()
    %barrier3A = arith.constant 0 : index
    tpu.barrier barrier_id(%barrier3A)
    "tpu.region"() ({
      %run_scoped3A_430 = tpu.sem_alloc : memref<!tpu.dma_semaphore, #tpu.memory_space<semaphore_mem>>
      %dma_start3A_431 = arith.constant 0 : i32
      %dma_start3A_432 = arith.constant 0 : i32
      %dma_start3A_433 = tpu.memref_slice %arg3[%add3A, %dma_start3A_431, %dma_start3A_432] : memref<32x80x128xi32, #tpu.memory_space<hbm>> -> memref<1x80x128xi32, #tpu.memory_space<hbm>>
      %dma_start3A_434 = tpu.memref_squeeze %dma_start3A_433 : memref<1x80x128xi32, #tpu.memory_space<hbm>> -> memref<80x128xi32, #tpu.memory_space<hbm>>
      %dma_start3A_435 = arith.constant 0 : i32
      %dma_start3A_436 = arith.constant 0 : i32
      %dma_start3A_437 = tpu.memref_slice %arg3[%add3A, %dma_start3A_435, %dma_start3A_436] : memref<32x80x128xi32, #tpu.memory_space<hbm>> -> memref<1x80x128xi32, #tpu.memory_space<hbm>>
      %dma_start3A_438 = tpu.memref_squeeze %dma_start3A_437 : memref<1x80x128xi32, #tpu.memory_space<hbm>> -> memref<80x128xi32, #tpu.memory_space<hbm>>
      tpu.enqueue_dma source(%dma_start3A_438 : memref<80x128xi32, #tpu.memory_space<hbm>>) target(%arg5 : memref<80x128xi32, #tpu.memory_space<vmem>>) target_semaphore(%run_scoped3A_430 : memref<!tpu.dma_semaphore, #tpu.memory_space<semaphore_mem>>)
      %dma_wait3A_439 = arith.constant 0 : i32
      %dma_wait3A_440 = arith.constant 0 : i32
      %dma_wait3A_441 = tpu.memref_slice %arg3[%add3A, %dma_wait3A_439, %dma_wait3A_440] : memref<32x80x128xi32, #tpu.memory_space<hbm>> -> memref<1x80x128xi32, #tpu.memory_space<hbm>>
      %dma_wait3A_442 = tpu.memref_squeeze %dma_wait3A_441 : memref<1x80x128xi32, #tpu.memory_space<hbm>> -> memref<80x128xi32, #tpu.memory_space<hbm>>
      %dma_wait3A_443 = arith.constant 0 : i32
      %dma_wait3A_444 = arith.constant 0 : i32
      %dma_wait3A_445 = tpu.memref_slice %arg3[%add3A, %dma_wait3A_443, %dma_wait3A_444] : memref<32x80x128xi32, #tpu.memory_space<hbm>> -> memref<1x80x128xi32, #tpu.memory_space<hbm>>
      %dma_wait3A_446 = tpu.memref_squeeze %dma_wait3A_445 : memref<1x80x128xi32, #tpu.memory_space<hbm>> -> memref<80x128xi32, #tpu.memory_space<hbm>>
      tpu.wait_dma2 semaphore(%run_scoped3A_430 : memref<!tpu.dma_semaphore, #tpu.memory_space<semaphore_mem>>) src(%dma_wait3A_446 : memref<80x128xi32, #tpu.memory_space<hbm>>) dst(%arg5 : memref<80x128xi32, #tpu.memory_space<vmem>>)
      tpu.yield
    }) : () -> ()
    %get3A = arith.constant 0 : i32
    %get3A_27 = arith.index_cast %get3A : i32 to index
    %get3A_28 = arith.constant 0 : index
    %get3A_29 = tpu.vector_load %arg5[%get3A_27, %get3A_28] {strides = array<i32>} : memref<80x128xi32, #tpu.memory_space<vmem>>, vector<1x16xi32>,
    %get3A_30 = vector.shape_cast %get3A_29 : vector<1x16xi32> to vector<16xi32>
    %shift_right_logical3A = arith.constant 14 : i32
    %shift_right_logical3A_31 = vector.broadcast %shift_right_logical3A : i32 to vector<16xi32>
    %shift_right_logical3A_32 = arith.shrui %get3A_30, %shift_right_logical3A_31 : vector<16xi32>
    %swap3A = arith.constant 0 : i32
    %swap3A_33 = arith.index_cast %swap3A : i32 to index
    %swap3A_34 = arith.constant 0 : index
    %swap3A_35 = tpu.vector_load %arg6[%swap3A_33, %swap3A_34] {strides = array<i32>} : memref<8x128xi32, #tpu.memory_space<vmem>>, vector<1x16xi32>,
    %swap3A_36 = vector.shape_cast %swap3A_35 : vector<1x16xi32> to vector<16xi32>
    %swap3A_37 = vector.shape_cast %shift_right_logical3A_32 : vector<16xi32> to vector<1x16xi32>
    tpu.vector_store %arg6[%swap3A_33, %swap3A_34], %swap3A_37 {strides = array<i32>} : memref<8x128xi32, #tpu.memory_space<vmem>>, vector<1x16xi32>,
    %and3A = arith.constant 16383 : i32
    %and3A_38 = vector.broadcast %and3A : i32 to vector<16xi32>
    %and3A_39 = arith.andi %get3A_30, %and3A_38 : vector<16xi32>
    %swap3A_40 = arith.constant 1 : i32
    %swap3A_41 = arith.index_cast %swap3A_40 : i32 to index
    %swap3A_42 = arith.constant 0 : index
    %swap3A_43 = tpu.vector_load %arg6[%swap3A_41, %swap3A_42] {strides = array<i32>} : memref<8x128xi32, #tpu.memory_space<vmem>>, vector<1x16xi32>,
    %swap3A_44 = vector.shape_cast %swap3A_43 : vector<1x16xi32> to vector<16xi32>
    %swap3A_45 = vector.shape_cast %and3A_39 : vector<16xi32> to vector<1x16xi32>
    tpu.vector_store %arg6[%swap3A_41, %swap3A_42], %swap3A_45 {strides = array<i32>} : memref<8x128xi32, #tpu.memory_space<vmem>>, vector<1x16xi32>,
    %get3A_46 = arith.constant 0 : i32
    %get3A_47 = arith.index_cast %get3A_46 : i32 to index
    %get3A_48 = arith.constant 16 : index
    %get3A_49 = tpu.vector_load %arg5[%get3A_47, %get3A_48] {strides = array<i32>} : memref<80x128xi32, #tpu.memory_space<vmem>>, vector<1x16xi32>,
    %get3A_50 = vector.shape_cast %get3A_49 : vector<1x16xi32> to vector<16xi32>
    %shift_right_logical3A_51 = arith.constant 14 : i32
    %shift_right_logical3A_52 = vector.broadcast %shift_right_logical3A_51 : i32 to vector<16xi32>
    %shift_right_logical3A_53 = arith.shrui %get3A_50, %shift_right_logical3A_52 : vector<16xi32>
    %swap3A_54 = arith.constant 0 : i32
    %swap3A_55 = arith.index_cast %swap3A_54 : i32 to index
    %swap3A_56 = arith.constant 16 : index
    %swap3A_57 = tpu.vector_load %arg6[%swap3A_55, %swap3A_56] {strides = array<i32>} : memref<8x128xi32, #tpu.memory_space<vmem>>, vector<1x16xi32>,
    %swap3A_58 = vector.shape_cast %swap3A_57 : vector<1x16xi32> to vector<16xi32>
    %swap3A_59 = vector.shape_cast %shift_right_logical3A_53 : vector<16xi32> to vector<1x16xi32>
    tpu.vector_store %arg6[%swap3A_55, %swap3A_56], %swap3A_59 {strides = array<i32>} : memref<8x128xi32, #tpu.memory_space<vmem>>, vector<1x16xi32>,
    %and3A_60 = arith.constant 16383 : i32
    %and3A_61 = vector.broadcast %and3A_60 : i32 to vector<16xi32>
    %and3A_62 = arith.andi %get3A_50, %and3A_61 : vector<16xi32>
    %swap3A_63 = arith.constant 1 : i32
    %swap3A_64 = arith.index_cast %swap3A_63 : i32 to index
    %swap3A_65 = arith.constant 16 : index
    %swap3A_66 = tpu.vector_load %arg6[%swap3A_64, %swap3A_65] {strides = array<i32>} : memref<8x128xi32, #tpu.memory_space<vmem>>, vector<1x16xi32>,
    %swap3A_67 = vector.shape_cast %swap3A_66 : vector<1x16xi32> to vector<16xi32>
    %swap3A_68 = vector.shape_cast %and3A_62 : vector<16xi32> to vector<1x16xi32>
    tpu.vector_store %arg6[%swap3A_64, %swap3A_65], %swap3A_68 {strides = array<i32>} : memref<8x128xi32, #tpu.memory_space<vmem>>, vector<1x16xi32>,
    %get3A_69 = arith.constant 0 : i32
    %get3A_70 = arith.index_cast %get3A_69 : i32 to index
    %get3A_71 = arith.constant 32 : index
    %get3A_72 = tpu.vector_load %arg5[%get3A_70, %get3A_71] {strides = array<i32>} : memref<80x128xi32, #tpu.memory_space<vmem>>, vector<1x16xi32>,
    %get3A_73 = vector.shape_cast %get3A_72 : vector<1x16xi32> to vector<16xi32>
    %shift_right_logical3A_74 = arith.constant 14 : i32
    %shift_right_logical3A_75 = vector.broadcast %shift_right_logical3A_74 : i32 to vector<16xi32>
    %shift_right_logical3A_76 = arith.shrui %get3A_73, %shift_right_logical3A_75 : vector<16xi32>
    %swap3A_77 = arith.constant 0 : i32
    %swap3A_78 = arith.index_cast %swap3A_77 : i32 to index
    %swap3A_79 = arith.constant 32 : index
    %swap3A_80 = tpu.vector_load %arg6[%swap3A_78, %swap3A_79] {strides = array<i32>} : memref<8x128xi32, #tpu.memory_space<vmem>>, vector<1x16xi32>,
    %swap3A_81 = vector.shape_cast %swap3A_80 : vector<1x16xi32> to vector<16xi32>
    %swap3A_82 = vector.shape_cast %shift_right_logical3A_76 : vector<16xi32> to vector<1x16xi32>
    tpu.vector_store %arg6[%swap3A_78, %swap3A_79], %swap3A_82 {strides = array<i32>} : memref<8x128xi32, #tpu.memory_space<vmem>>, vector<1x16xi32>,
    %and3A_83 = arith.constant 16383 : i32
    %and3A_84 = vector.broadcast %and3A_83 : i32 to vector<16xi32>
    %and3A_85 = arith.andi %get3A_73, %and3A_84 : vector<16xi32>
    %swap3A_86 = arith.constant 1 : i32
    %swap3A_87 = arith.index_cast %swap3A_86 : i32 to index
    %swap3A_88 = arith.constant 32 : index
    %swap3A_89 = tpu.vector_load %arg6[%swap3A_87, %swap3A_88] {strides = array<i32>} : memref<8x128xi32, #tpu.memory_space<vmem>>, vector<1x16xi32>,
    %swap3A_90 = vector.shape_cast %swap3A_89 : vector<1x16xi32> to vector<16xi32>
    %swap3A_91 = vector.shape_cast %and3A_85 : vector<16xi32> to vector<1x16xi32>
    tpu.vector_store %arg6[%swap3A_87, %swap3A_88], %swap3A_91 {strides = array<i32>} : memref<8x128xi32, #tpu.memory_space<vmem>>, vector<1x16xi32>,
    %get3A_92 = arith.constant 0 : i32
    %get3A_93 = arith.index_cast %get3A_92 : i32 to index
    %get3A_94 = arith.constant 48 : index
    %get3A_95 = tpu.vector_load %arg5[%get3A_93, %get3A_94] {strides = array<i32>} : memref<80x128xi32, #tpu.memory_space<vmem>>, vector<1x16xi32>,
    %get3A_96 = vector.shape_cast %get3A_95 : vector<1x16xi32> to vector<16xi32>
    %shift_right_logical3A_97 = arith.constant 14 : i32
    %shift_right_logical3A_98 = vector.broadcast %shift_right_logical3A_97 : i32 to vector<16xi32>
    %shift_right_logical3A_99 = arith.shrui %get3A_96, %shift_right_logical3A_98 : vector<16xi32>
    %swap3A_100 = arith.constant 0 : i32
    %swap3A_101 = arith.index_cast %swap3A_100 : i32 to index
    %swap3A_102 = arith.constant 48 : index
    %swap3A_103 = tpu.vector_load %arg6[%swap3A_101, %swap3A_102] {strides = array<i32>} : memref<8x128xi32, #tpu.memory_space<vmem>>, vector<1x16xi32>,
    %swap3A_104 = vector.shape_cast %swap3A_103 : vector<1x16xi32> to vector<16xi32>
    %swap3A_105 = vector.shape_cast %shift_right_logical3A_99 : vector<16xi32> to vector<1x16xi32>
    tpu.vector_store %arg6[%swap3A_101, %swap3A_102], %swap3A_105 {strides = array<i32>} : memref<8x128xi32, #tpu.memory_space<vmem>>, vector<1x16xi32>,
    %and3A_106 = arith.constant 16383 : i32
    %and3A_107 = vector.broadcast %and3A_106 : i32 to vector<16xi32>
    %and3A_108 = arith.andi %get3A_96, %and3A_107 : vector<16xi32>
    %swap3A_109 = arith.constant 1 : i32
    %swap3A_110 = arith.index_cast %swap3A_109 : i32 to index
    %swap3A_111 = arith.constant 48 : index
    %swap3A_112 = tpu.vector_load %arg6[%swap3A_110, %swap3A_111] {strides = array<i32>} : memref<8x128xi32, #tpu.memory_space<vmem>>, vector<1x16xi32>,
    %swap3A_113 = vector.shape_cast %swap3A_112 : vector<1x16xi32> to vector<16xi32>
    %swap3A_114 = vector.shape_cast %and3A_108 : vector<16xi32> to vector<1x16xi32>
    tpu.vector_store %arg6[%swap3A_110, %swap3A_111], %swap3A_114 {strides = array<i32>} : memref<8x128xi32, #tpu.memory_space<vmem>>, vector<1x16xi32>,
    %get3A_115 = arith.constant 0 : i32
    %get3A_116 = arith.index_cast %get3A_115 : i32 to index
    %get3A_117 = arith.constant 64 : index
    %get3A_118 = tpu.vector_load %arg5[%get3A_116, %get3A_117] {strides = array<i32>} : memref<80x128xi32, #tpu.memory_space<vmem>>, vector<1x16xi32>,
    %get3A_119 = vector.shape_cast %get3A_118 : vector<1x16xi32> to vector<16xi32>
    %shift_right_logical3A_120 = arith.constant 14 : i32
    %shift_right_logical3A_121 = vector.broadcast %shift_right_logical3A_120 : i32 to vector<16xi32>
    %shift_right_logical3A_122 = arith.shrui %get3A_119, %shift_right_logical3A_121 : vector<16xi32>
    %swap3A_123 = arith.constant 0 : i32
    %swap3A_124 = arith.index_cast %swap3A_123 : i32 to index
    %swap3A_125 = arith.constant 64 : index
    %swap3A_126 = tpu.vector_load %arg6[%swap3A_124, %swap3A_125] {strides = array<i32>} : memref<8x128xi32, #tpu.memory_space<vmem>>, vector<1x16xi32>,
    %swap3A_127 = vector.shape_cast %swap3A_126 : vector<1x16xi32> to vector<16xi32>
    %swap3A_128 = vector.shape_cast %shift_right_logical3A_122 : vector<16xi32> to vector<1x16xi32>
    tpu.vector_store %arg6[%swap3A_124, %swap3A_125], %swap3A_128 {strides = array<i32>} : memref<8x128xi32, #tpu.memory_space<vmem>>, vector<1x16xi32>,
    %and3A_129 = arith.constant 16383 : i32
    %and3A_130 = vector.broadcast %and3A_129 : i32 to vector<16xi32>
    %and3A_131 = arith.andi %get3A_119, %and3A_130 : vector<16xi32>
    %swap3A_132 = arith.constant 1 : i32
    %swap3A_133 = arith.index_cast %swap3A_132 : i32 to index
    %swap3A_134 = arith.constant 64 : index
    %swap3A_135 = tpu.vector_load %arg6[%swap3A_133, %swap3A_134] {strides = array<i32>} : memref<8x128xi32, #tpu.memory_space<vmem>>, vector<1x16xi32>,
    %swap3A_136 = vector.shape_cast %swap3A_135 : vector<1x16xi32> to vector<16xi32>
    %swap3A_137 = vector.shape_cast %and3A_131 : vector<16xi32> to vector<1x16xi32>
    tpu.vector_store %arg6[%swap3A_133, %swap3A_134], %swap3A_137 {strides = array<i32>} : memref<8x128xi32, #tpu.memory_space<vmem>>, vector<1x16xi32>,
    %get3A_138 = arith.constant 0 : i32
    %get3A_139 = arith.index_cast %get3A_138 : i32 to index
    %get3A_140 = arith.constant 80 : index
    %get3A_141 = tpu.vector_load %arg5[%get3A_139, %get3A_140] {strides = array<i32>} : memref<80x128xi32, #tpu.memory_space<vmem>>, vector<1x16xi32>,
    %get3A_142 = vector.shape_cast %get3A_141 : vector<1x16xi32> to vector<16xi32>
    %shift_right_logical3A_143 = arith.constant 14 : i32
    %shift_right_logical3A_144 = vector.broadcast %shift_right_logical3A_143 : i32 to vector<16xi32>
    %shift_right_logical3A_145 = arith.shrui %get3A_142, %shift_right_logical3A_144 : vector<16xi32>
    %swap3A_146 = arith.constant 0 : i32
    %swap3A_147 = arith.index_cast %swap3A_146 : i32 to index
    %swap3A_148 = arith.constant 80 : index
    %swap3A_149 = tpu.vector_load %arg6[%swap3A_147, %swap3A_148] {strides = array<i32>} : memref<8x128xi32, #tpu.memory_space<vmem>>, vector<1x16xi32>,
    %swap3A_150 = vector.shape_cast %swap3A_149 : vector<1x16xi32> to vector<16xi32>
    %swap3A_151 = vector.shape_cast %shift_right_logical3A_145 : vector<16xi32> to vector<1x16xi32>
    tpu.vector_store %arg6[%swap3A_147, %swap3A_148], %swap3A_151 {strides = array<i32>} : memref<8x128xi32, #tpu.memory_space<vmem>>, vector<1x16xi32>,
    %and3A_152 = arith.constant 16383 : i32
    %and3A_153 = vector.broadcast %and3A_152 : i32 to vector<16xi32>
    %and3A_154 = arith.andi %get3A_142, %and3A_153 : vector<16xi32>
    %swap3A_155 = arith.constant 1 : i32
    %swap3A_156 = arith.index_cast %swap3A_155 : i32 to index
    %swap3A_157 = arith.constant 80 : index
    %swap3A_158 = tpu.vector_load %arg6[%swap3A_156, %swap3A_157] {strides = array<i32>} : memref<8x128xi32, #tpu.memory_space<vmem>>, vector<1x16xi32>,
    %swap3A_159 = vector.shape_cast %swap3A_158 : vector<1x16xi32> to vector<16xi32>
    %swap3A_160 = vector.shape_cast %and3A_154 : vector<16xi32> to vector<1x16xi32>
    tpu.vector_store %arg6[%swap3A_156, %swap3A_157], %swap3A_160 {strides = array<i32>} : memref<8x128xi32, #tpu.memory_space<vmem>>, vector<1x16xi32>,
    %get3A_161 = arith.constant 0 : i32
    %get3A_162 = arith.index_cast %get3A_161 : i32 to index
    %get3A_163 = arith.constant 96 : index
    %get3A_164 = tpu.vector_load %arg5[%get3A_162, %get3A_163] {strides = array<i32>} : memref<80x128xi32, #tpu.memory_space<vmem>>, vector<1x16xi32>,
    %get3A_165 = vector.shape_cast %get3A_164 : vector<1x16xi32> to vector<16xi32>
    %shift_right_logical3A_166 = arith.constant 14 : i32
    %shift_right_logical3A_167 = vector.broadcast %shift_right_logical3A_166 : i32 to vector<16xi32>
    %shift_right_logical3A_168 = arith.shrui %get3A_165, %shift_right_logical3A_167 : vector<16xi32>
    %swap3A_169 = arith.constant 0 : i32
    %swap3A_170 = arith.index_cast %swap3A_169 : i32 to index
    %swap3A_171 = arith.constant 96 : index
    %swap3A_172 = tpu.vector_load %arg6[%swap3A_170, %swap3A_171] {strides = array<i32>} : memref<8x128xi32, #tpu.memory_space<vmem>>, vector<1x16xi32>,
    %swap3A_173 = vector.shape_cast %swap3A_172 : vector<1x16xi32> to vector<16xi32>
    %swap3A_174 = vector.shape_cast %shift_right_logical3A_168 : vector<16xi32> to vector<1x16xi32>
    tpu.vector_store %arg6[%swap3A_170, %swap3A_171], %swap3A_174 {strides = array<i32>} : memref<8x128xi32, #tpu.memory_space<vmem>>, vector<1x16xi32>,
    %and3A_175 = arith.constant 16383 : i32
    %and3A_176 = vector.broadcast %and3A_175 : i32 to vector<16xi32>
    %and3A_177 = arith.andi %get3A_165, %and3A_176 : vector<16xi32>
    %swap3A_178 = arith.constant 1 : i32
    %swap3A_179 = arith.index_cast %swap3A_178 : i32 to index
    %swap3A_180 = arith.constant 96 : index
    %swap3A_181 = tpu.vector_load %arg6[%swap3A_179, %swap3A_180] {strides = array<i32>} : memref<8x128xi32, #tpu.memory_space<vmem>>, vector<1x16xi32>,
    %swap3A_182 = vector.shape_cast %swap3A_181 : vector<1x16xi32> to vector<16xi32>
    %swap3A_183 = vector.shape_cast %and3A_177 : vector<16xi32> to vector<1x16xi32>
    tpu.vector_store %arg6[%swap3A_179, %swap3A_180], %swap3A_183 {strides = array<i32>} : memref<8x128xi32, #tpu.memory_space<vmem>>, vector<1x16xi32>,
    %get3A_184 = arith.constant 0 : i32
    %get3A_185 = arith.index_cast %get3A_184 : i32 to index
    %get3A_186 = arith.constant 112 : index
    %get3A_187 = tpu.vector_load %arg5[%get3A_185, %get3A_186] {strides = array<i32>} : memref<80x128xi32, #tpu.memory_space<vmem>>, vector<1x16xi32>,
    %get3A_188 = vector.shape_cast %get3A_187 : vector<1x16xi32> to vector<16xi32>
    %shift_right_logical3A_189 = arith.constant 14 : i32
    %shift_right_logical3A_190 = vector.broadcast %shift_right_logical3A_189 : i32 to vector<16xi32>
    %shift_right_logical3A_191 = arith.shrui %get3A_188, %shift_right_logical3A_190 : vector<16xi32>
    %swap3A_192 = arith.constant 0 : i32
    %swap3A_193 = arith.index_cast %swap3A_192 : i32 to index
    %swap3A_194 = arith.constant 112 : index
    %swap3A_195 = tpu.vector_load %arg6[%swap3A_193, %swap3A_194] {strides = array<i32>} : memref<8x128xi32, #tpu.memory_space<vmem>>, vector<1x16xi32>,
    %swap3A_196 = vector.shape_cast %swap3A_195 : vector<1x16xi32> to vector<16xi32>
    %swap3A_197 = vector.shape_cast %shift_right_logical3A_191 : vector<16xi32> to vector<1x16xi32>
    tpu.vector_store %arg6[%swap3A_193, %swap3A_194], %swap3A_197 {strides = array<i32>} : memref<8x128xi32, #tpu.memory_space<vmem>>, vector<1x16xi32>,
    %and3A_198 = arith.constant 16383 : i32
    %and3A_199 = vector.broadcast %and3A_198 : i32 to vector<16xi32>
    %and3A_200 = arith.andi %get3A_188, %and3A_199 : vector<16xi32>
    %swap3A_201 = arith.constant 1 : i32
    %swap3A_202 = arith.index_cast %swap3A_201 : i32 to index
    %swap3A_203 = arith.constant 112 : index
    %swap3A_204 = tpu.vector_load %arg6[%swap3A_202, %swap3A_203] {strides = array<i32>} : memref<8x128xi32, #tpu.memory_space<vmem>>, vector<1x16xi32>,
    %swap3A_205 = vector.shape_cast %swap3A_204 : vector<1x16xi32> to vector<16xi32>
    %swap3A_206 = vector.shape_cast %and3A_200 : vector<16xi32> to vector<1x16xi32>
    tpu.vector_store %arg6[%swap3A_202, %swap3A_203], %swap3A_206 {strides = array<i32>} : memref<8x128xi32, #tpu.memory_space<vmem>>, vector<1x16xi32>,
    %dma_start3A = arith.constant 0 : i32
    %dma_start3A_207 = arith.constant 0 : i32
    %dma_start3A_208 = tpu.memref_slice %arg6[%dma_start3A, %dma_start3A_207] : memref<8x128xi32, #tpu.memory_space<vmem>> -> memref<1x128xi32, #tpu.memory_space<vmem>>
    %dma_start3A_209 = tpu.memref_squeeze %dma_start3A_208 : memref<1x128xi32, #tpu.memory_space<vmem>> -> memref<128xi32, #tpu.memory_space<vmem>>
    %dma_start3A_210 = arith.constant 0 : i32
    %dma_start3A_211 = arith.constant 0 : i32
    %dma_start3A_212 = tpu.memref_slice %arg2[%dma_start3A_210, %dma_start3A_211] : memref<10240x128xf32, #tpu.memory_space<hbm>> -> memref<10240x128xf32, #tpu.memory_space<hbm>>
    tpu.enqueue_indirect_dma source(%dma_start3A_212 : memref<10240x128xf32, #tpu.memory_space<hbm>>) target(%arg7 : memref<128x128xf32, #tpu.memory_space<vmem>>) offsets(%dma_start3A_209 : memref<128xi32, #tpu.memory_space<vmem>>) semaphore(%arg10 : memref<!tpu.dma_semaphore, #tpu.memory_space<semaphore_mem>>)
    %scan3A_213 = arith.constant 0 : i32
    %scan3A_214 = arith.constant 0 : i32
    %scan3A_215 = arith.constant 39 : i32
    %scan3A_216 = arith.addi %scan3A_214, %scan3A_215 : i32
    %scan3A_217 = arith.constant 1 : i32
    %scan3A_218 = scf.for %scan3A_430 = %scan3A_214 to %scan3A_216 step %scan3A_217 iter_args(%scan3A_431 = %scan3A_213) -> (i32)  : i32 {
      %mul3A_432 = arith.constant 2 : i32
      %mul3A_433 = arith.muli %mul3A_432, %scan3A_430 : i32
      %add3A_434 = arith.constant 1 : i32
      %add3A_435 = arith.addi %mul3A_433, %add3A_434 : i32
      %get3A_436 = arith.index_cast %add3A_435 : i32 to index
      %get3A_437 = arith.constant 0 : index
      %get3A_438 = tpu.vector_load %arg5[%get3A_436, %get3A_437] {strides = array<i32>} : memref<80x128xi32, #tpu.memory_space<vmem>>, vector<1x16xi32>,
      %get3A_439 = vector.shape_cast %get3A_438 : vector<1x16xi32> to vector<16xi32>
      %shift_right_logical3A_440 = arith.constant 14 : i32
      %shift_right_logical3A_441 = vector.broadcast %shift_right_logical3A_440 : i32 to vector<16xi32>
      %shift_right_logical3A_442 = arith.shrui %get3A_439, %shift_right_logical3A_441 : vector<16xi32>
      %swap3A_443 = arith.constant 2 : i32
      %swap3A_444 = arith.index_cast %swap3A_443 : i32 to index
      %swap3A_445 = arith.constant 0 : index
      %swap3A_446 = tpu.vector_load %arg6[%swap3A_444, %swap3A_445] {strides = array<i32>} : memref<8x128xi32, #tpu.memory_space<vmem>>, vector<1x16xi32>,
      %swap3A_447 = vector.shape_cast %swap3A_446 : vector<1x16xi32> to vector<16xi32>
      %swap3A_448 = vector.shape_cast %shift_right_logical3A_442 : vector<16xi32> to vector<1x16xi32>
      tpu.vector_store %arg6[%swap3A_444, %swap3A_445], %swap3A_448 {strides = array<i32>} : memref<8x128xi32, #tpu.memory_space<vmem>>, vector<1x16xi32>,
      %and3A_449 = arith.constant 16383 : i32
      %and3A_450 = vector.broadcast %and3A_449 : i32 to vector<16xi32>
      %and3A_451 = arith.andi %get3A_439, %and3A_450 : vector<16xi32>
      %swap3A_452 = arith.constant 3 : i32
      %swap3A_453 = arith.index_cast %swap3A_452 : i32 to index
      %swap3A_454 = arith.constant 0 : index
      %swap3A_455 = tpu.vector_load %arg6[%swap3A_453, %swap3A_454] {strides = array<i32>} : memref<8x128xi32, #tpu.memory_space<vmem>>, vector<1x16xi32>,
      %swap3A_456 = vector.shape_cast %swap3A_455 : vector<1x16xi32> to vector<16xi32>
      %swap3A_457 = vector.shape_cast %and3A_451 : vector<16xi32> to vector<1x16xi32>
      tpu.vector_store %arg6[%swap3A_453, %swap3A_454], %swap3A_457 {strides = array<i32>} : memref<8x128xi32, #tpu.memory_space<vmem>>, vector<1x16xi32>,
      %get3A_458 = arith.index_cast %add3A_435 : i32 to index
      %get3A_459 = arith.constant 16 : index
      %get3A_460 = tpu.vector_load %arg5[%get3A_458, %get3A_459] {strides = array<i32>} : memref<80x128xi32, #tpu.memory_space<vmem>>, vector<1x16xi32>,
      %get3A_461 = vector.shape_cast %get3A_460 : vector<1x16xi32> to vector<16xi32>
      %shift_right_logical3A_462 = arith.constant 14 : i32
      %shift_right_logical3A_463 = vector.broadcast %shift_right_logical3A_462 : i32 to vector<16xi32>
      %shift_right_logical3A_464 = arith.shrui %get3A_461, %shift_right_logical3A_463 : vector<16xi32>
      %swap3A_465 = arith.constant 2 : i32
      %swap3A_466 = arith.index_cast %swap3A_465 : i32 to index
      %swap3A_467 = arith.constant 16 : index
      %swap3A_468 = tpu.vector_load %arg6[%swap3A_466, %swap3A_467] {strides = array<i32>} : memref<8x128xi32, #tpu.memory_space<vmem>>, vector<1x16xi32>,
      %swap3A_469 = vector.shape_cast %swap3A_468 : vector<1x16xi32> to vector<16xi32>
      %swap3A_470 = vector.shape_cast %shift_right_logical3A_464 : vector<16xi32> to vector<1x16xi32>
      tpu.vector_store %arg6[%swap3A_466, %swap3A_467], %swap3A_470 {strides = array<i32>} : memref<8x128xi32, #tpu.memory_space<vmem>>, vector<1x16xi32>,
      %and3A_471 = arith.constant 16383 : i32
      %and3A_472 = vector.broadcast %and3A_471 : i32 to vector<16xi32>
      %and3A_473 = arith.andi %get3A_461, %and3A_472 : vector<16xi32>
      %swap3A_474 = arith.constant 3 : i32
      %swap3A_475 = arith.index_cast %swap3A_474 : i32 to index
      %swap3A_476 = arith.constant 16 : index
      %swap3A_477 = tpu.vector_load %arg6[%swap3A_475, %swap3A_476] {strides = array<i32>} : memref<8x128xi32, #tpu.memory_space<vmem>>, vector<1x16xi32>,
      %swap3A_478 = vector.shape_cast %swap3A_477 : vector<1x16xi32> to vector<16xi32>
      %swap3A_479 = vector.shape_cast %and3A_473 : vector<16xi32> to vector<1x16xi32>
      tpu.vector_store %arg6[%swap3A_475, %swap3A_476], %swap3A_479 {strides = array<i32>} : memref<8x128xi32, #tpu.memory_space<vmem>>, vector<1x16xi32>,
      %get3A_480 = arith.index_cast %add3A_435 : i32 to index
      %get3A_481 = arith.constant 32 : index
      %get3A_482 = tpu.vector_load %arg5[%get3A_480, %get3A_481] {strides = array<i32>} : memref<80x128xi32, #tpu.memory_space<vmem>>, vector<1x16xi32>,
      %get3A_483 = vector.shape_cast %get3A_482 : vector<1x16xi32> to vector<16xi32>
      %shift_right_logical3A_484 = arith.constant 14 : i32
      %shift_right_logical3A_485 = vector.broadcast %shift_right_logical3A_484 : i32 to vector<16xi32>
      %shift_right_logical3A_486 = arith.shrui %get3A_483, %shift_right_logical3A_485 : vector<16xi32>
      %swap3A_487 = arith.constant 2 : i32
      %swap3A_488 = arith.index_cast %swap3A_487 : i32 to index
      %swap3A_489 = arith.constant 32 : index
      %swap3A_490 = tpu.vector_load %arg6[%swap3A_488, %swap3A_489] {strides = array<i32>} : memref<8x128xi32, #tpu.memory_space<vmem>>, vector<1x16xi32>,
      %swap3A_491 = vector.shape_cast %swap3A_490 : vector<1x16xi32> to vector<16xi32>
      %swap3A_492 = vector.shape_cast %shift_right_logical3A_486 : vector<16xi32> to vector<1x16xi32>
      tpu.vector_store %arg6[%swap3A_488, %swap3A_489], %swap3A_492 {strides = array<i32>} : memref<8x128xi32, #tpu.memory_space<vmem>>, vector<1x16xi32>,
      %and3A_493 = arith.constant 16383 : i32
      %and3A_494 = vector.broadcast %and3A_493 : i32 to vector<16xi32>
      %and3A_495 = arith.andi %get3A_483, %and3A_494 : vector<16xi32>
      %swap3A_496 = arith.constant 3 : i32
      %swap3A_497 = arith.index_cast %swap3A_496 : i32 to index
      %swap3A_498 = arith.constant 32 : index
      %swap3A_499 = tpu.vector_load %arg6[%swap3A_497, %swap3A_498] {strides = array<i32>} : memref<8x128xi32, #tpu.memory_space<vmem>>, vector<1x16xi32>,
      %swap3A_500 = vector.shape_cast %swap3A_499 : vector<1x16xi32> to vector<16xi32>
      %swap3A_501 = vector.shape_cast %and3A_495 : vector<16xi32> to vector<1x16xi32>
      tpu.vector_store %arg6[%swap3A_497, %swap3A_498], %swap3A_501 {strides = array<i32>} : memref<8x128xi32, #tpu.memory_space<vmem>>, vector<1x16xi32>,
      %get3A_502 = arith.index_cast %add3A_435 : i32 to index
      %get3A_503 = arith.constant 48 : index
      %get3A_504 = tpu.vector_load %arg5[%get3A_502, %get3A_503] {strides = array<i32>} : memref<80x128xi32, #tpu.memory_space<vmem>>, vector<1x16xi32>,
      %get3A_505 = vector.shape_cast %get3A_504 : vector<1x16xi32> to vector<16xi32>
      %shift_right_logical3A_506 = arith.constant 14 : i32
      %shift_right_logical3A_507 = vector.broadcast %shift_right_logical3A_506 : i32 to vector<16xi32>
      %shift_right_logical3A_508 = arith.shrui %get3A_505, %shift_right_logical3A_507 : vector<16xi32>
      %swap3A_509 = arith.constant 2 : i32
      %swap3A_510 = arith.index_cast %swap3A_509 : i32 to index
      %swap3A_511 = arith.constant 48 : index
      %swap3A_512 = tpu.vector_load %arg6[%swap3A_510, %swap3A_511] {strides = array<i32>} : memref<8x128xi32, #tpu.memory_space<vmem>>, vector<1x16xi32>,
      %swap3A_513 = vector.shape_cast %swap3A_512 : vector<1x16xi32> to vector<16xi32>
      %swap3A_514 = vector.shape_cast %shift_right_logical3A_508 : vector<16xi32> to vector<1x16xi32>
      tpu.vector_store %arg6[%swap3A_510, %swap3A_511], %swap3A_514 {strides = array<i32>} : memref<8x128xi32, #tpu.memory_space<vmem>>, vector<1x16xi32>,
      %and3A_515 = arith.constant 16383 : i32
      %and3A_516 = vector.broadcast %and3A_515 : i32 to vector<16xi32>
      %and3A_517 = arith.andi %get3A_505, %and3A_516 : vector<16xi32>
      %swap3A_518 = arith.constant 3 : i32
      %swap3A_519 = arith.index_cast %swap3A_518 : i32 to index
      %swap3A_520 = arith.constant 48 : index
      %swap3A_521 = tpu.vector_load %arg6[%swap3A_519, %swap3A_520] {strides = array<i32>} : memref<8x128xi32, #tpu.memory_space<vmem>>, vector<1x16xi32>,
      %swap3A_522 = vector.shape_cast %swap3A_521 : vector<1x16xi32> to vector<16xi32>
      %swap3A_523 = vector.shape_cast %and3A_517 : vector<16xi32> to vector<1x16xi32>
      tpu.vector_store %arg6[%swap3A_519, %swap3A_520], %swap3A_523 {strides = array<i32>} : memref<8x128xi32, #tpu.memory_space<vmem>>, vector<1x16xi32>,
      %get3A_524 = arith.index_cast %add3A_435 : i32 to index
      %get3A_525 = arith.constant 64 : index
      %get3A_526 = tpu.vector_load %arg5[%get3A_524, %get3A_525] {strides = array<i32>} : memref<80x128xi32, #tpu.memory_space<vmem>>, vector<1x16xi32>,
      %get3A_527 = vector.shape_cast %get3A_526 : vector<1x16xi32> to vector<16xi32>
      %shift_right_logical3A_528 = arith.constant 14 : i32
      %shift_right_logical3A_529 = vector.broadcast %shift_right_logical3A_528 : i32 to vector<16xi32>
      %shift_right_logical3A_530 = arith.shrui %get3A_527, %shift_right_logical3A_529 : vector<16xi32>
      %swap3A_531 = arith.constant 2 : i32
      %swap3A_532 = arith.index_cast %swap3A_531 : i32 to index
      %swap3A_533 = arith.constant 64 : index
      %swap3A_534 = tpu.vector_load %arg6[%swap3A_532, %swap3A_533] {strides = array<i32>} : memref<8x128xi32, #tpu.memory_space<vmem>>, vector<1x16xi32>,
      %swap3A_535 = vector.shape_cast %swap3A_534 : vector<1x16xi32> to vector<16xi32>
      %swap3A_536 = vector.shape_cast %shift_right_logical3A_530 : vector<16xi32> to vector<1x16xi32>
      tpu.vector_store %arg6[%swap3A_532, %swap3A_533], %swap3A_536 {strides = array<i32>} : memref<8x128xi32, #tpu.memory_space<vmem>>, vector<1x16xi32>,
      %and3A_537 = arith.constant 16383 : i32
      %and3A_538 = vector.broadcast %and3A_537 : i32 to vector<16xi32>
      %and3A_539 = arith.andi %get3A_527, %and3A_538 : vector<16xi32>
      %swap3A_540 = arith.constant 3 : i32
      %swap3A_541 = arith.index_cast %swap3A_540 : i32 to index
      %swap3A_542 = arith.constant 64 : index
      %swap3A_543 = tpu.vector_load %arg6[%swap3A_541, %swap3A_542] {strides = array<i32>} : memref<8x128xi32, #tpu.memory_space<vmem>>, vector<1x16xi32>,
      %swap3A_544 = vector.shape_cast %swap3A_543 : vector<1x16xi32> to vector<16xi32>
      %swap3A_545 = vector.shape_cast %and3A_539 : vector<16xi32> to vector<1x16xi32>
      tpu.vector_store %arg6[%swap3A_541, %swap3A_542], %swap3A_545 {strides = array<i32>} : memref<8x128xi32, #tpu.memory_space<vmem>>, vector<1x16xi32>,
      %get3A_546 = arith.index_cast %add3A_435 : i32 to index
      %get3A_547 = arith.constant 80 : index
      %get3A_548 = tpu.vector_load %arg5[%get3A_546, %get3A_547] {strides = array<i32>} : memref<80x128xi32, #tpu.memory_space<vmem>>, vector<1x16xi32>,
      %get3A_549 = vector.shape_cast %get3A_548 : vector<1x16xi32> to vector<16xi32>
      %shift_right_logical3A_550 = arith.constant 14 : i32
      %shift_right_logical3A_551 = vector.broadcast %shift_right_logical3A_550 : i32 to vector<16xi32>
      %shift_right_logical3A_552 = arith.shrui %get3A_549, %shift_right_logical3A_551 : vector<16xi32>
      %swap3A_553 = arith.constant 2 : i32
      %swap3A_554 = arith.index_cast %swap3A_553 : i32 to index
      %swap3A_555 = arith.constant 80 : index
      %swap3A_556 = tpu.vector_load %arg6[%swap3A_554, %swap3A_555] {strides = array<i32>} : memref<8x128xi32, #tpu.memory_space<vmem>>, vector<1x16xi32>,
      %swap3A_557 = vector.shape_cast %swap3A_556 : vector<1x16xi32> to vector<16xi32>
      %swap3A_558 = vector.shape_cast %shift_right_logical3A_552 : vector<16xi32> to vector<1x16xi32>
      tpu.vector_store %arg6[%swap3A_554, %swap3A_555], %swap3A_558 {strides = array<i32>} : memref<8x128xi32, #tpu.memory_space<vmem>>, vector<1x16xi32>,
      %and3A_559 = arith.constant 16383 : i32
      %and3A_560 = vector.broadcast %and3A_559 : i32 to vector<16xi32>
      %and3A_561 = arith.andi %get3A_549, %and3A_560 : vector<16xi32>
      %swap3A_562 = arith.constant 3 : i32
      %swap3A_563 = arith.index_cast %swap3A_562 : i32 to index
      %swap3A_564 = arith.constant 80 : index
      %swap3A_565 = tpu.vector_load %arg6[%swap3A_563, %swap3A_564] {strides = array<i32>} : memref<8x128xi32, #tpu.memory_space<vmem>>, vector<1x16xi32>,
      %swap3A_566 = vector.shape_cast %swap3A_565 : vector<1x16xi32> to vector<16xi32>
      %swap3A_567 = vector.shape_cast %and3A_561 : vector<16xi32> to vector<1x16xi32>
      tpu.vector_store %arg6[%swap3A_563, %swap3A_564], %swap3A_567 {strides = array<i32>} : memref<8x128xi32, #tpu.memory_space<vmem>>, vector<1x16xi32>,
      %get3A_568 = arith.index_cast %add3A_435 : i32 to index
      %get3A_569 = arith.constant 96 : index
      %get3A_570 = tpu.vector_load %arg5[%get3A_568, %get3A_569] {strides = array<i32>} : memref<80x128xi32, #tpu.memory_space<vmem>>, vector<1x16xi32>,
      %get3A_571 = vector.shape_cast %get3A_570 : vector<1x16xi32> to vector<16xi32>
      %shift_right_logical3A_572 = arith.constant 14 : i32
      %shift_right_logical3A_573 = vector.broadcast %shift_right_logical3A_572 : i32 to vector<16xi32>
      %shift_right_logical3A_574 = arith.shrui %get3A_571, %shift_right_logical3A_573 : vector<16xi32>
      %swap3A_575 = arith.constant 2 : i32
      %swap3A_576 = arith.index_cast %swap3A_575 : i32 to index
      %swap3A_577 = arith.constant 96 : index
      %swap3A_578 = tpu.vector_load %arg6[%swap3A_576, %swap3A_577] {strides = array<i32>} : memref<8x128xi32, #tpu.memory_space<vmem>>, vector<1x16xi32>,
      %swap3A_579 = vector.shape_cast %swap3A_578 : vector<1x16xi32> to vector<16xi32>
      %swap3A_580 = vector.shape_cast %shift_right_logical3A_574 : vector<16xi32> to vector<1x16xi32>
      tpu.vector_store %arg6[%swap3A_576, %swap3A_577], %swap3A_580 {strides = array<i32>} : memref<8x128xi32, #tpu.memory_space<vmem>>, vector<1x16xi32>,
      %and3A_581 = arith.constant 16383 : i32
      %and3A_582 = vector.broadcast %and3A_581 : i32 to vector<16xi32>
      %and3A_583 = arith.andi %get3A_571, %and3A_582 : vector<16xi32>
      %swap3A_584 = arith.constant 3 : i32
      %swap3A_585 = arith.index_cast %swap3A_584 : i32 to index
      %swap3A_586 = arith.constant 96 : index
      %swap3A_587 = tpu.vector_load %arg6[%swap3A_585, %swap3A_586] {strides = array<i32>} : memref<8x128xi32, #tpu.memory_space<vmem>>, vector<1x16xi32>,
      %swap3A_588 = vector.shape_cast %swap3A_587 : vector<1x16xi32> to vector<16xi32>
      %swap3A_589 = vector.shape_cast %and3A_583 : vector<16xi32> to vector<1x16xi32>
      tpu.vector_store %arg6[%swap3A_585, %swap3A_586], %swap3A_589 {strides = array<i32>} : memref<8x128xi32, #tpu.memory_space<vmem>>, vector<1x16xi32>,
      %get3A_590 = arith.index_cast %add3A_435 : i32 to index
      %get3A_591 = arith.constant 112 : index
      %get3A_592 = tpu.vector_load %arg5[%get3A_590, %get3A_591] {strides = array<i32>} : memref<80x128xi32, #tpu.memory_space<vmem>>, vector<1x16xi32>,
      %get3A_593 = vector.shape_cast %get3A_592 : vector<1x16xi32> to vector<16xi32>
      %shift_right_logical3A_594 = arith.constant 14 : i32
      %shift_right_logical3A_595 = vector.broadcast %shift_right_logical3A_594 : i32 to vector<16xi32>
      %shift_right_logical3A_596 = arith.shrui %get3A_593, %shift_right_logical3A_595 : vector<16xi32>
      %swap3A_597 = arith.constant 2 : i32
      %swap3A_598 = arith.index_cast %swap3A_597 : i32 to index
      %swap3A_599 = arith.constant 112 : index
      %swap3A_600 = tpu.vector_load %arg6[%swap3A_598, %swap3A_599] {strides = array<i32>} : memref<8x128xi32, #tpu.memory_space<vmem>>, vector<1x16xi32>,
      %swap3A_601 = vector.shape_cast %swap3A_600 : vector<1x16xi32> to vector<16xi32>
      %swap3A_602 = vector.shape_cast %shift_right_logical3A_596 : vector<16xi32> to vector<1x16xi32>
      tpu.vector_store %arg6[%swap3A_598, %swap3A_599], %swap3A_602 {strides = array<i32>} : memref<8x128xi32, #tpu.memory_space<vmem>>, vector<1x16xi32>,
      %and3A_603 = arith.constant 16383 : i32
      %and3A_604 = vector.broadcast %and3A_603 : i32 to vector<16xi32>
      %and3A_605 = arith.andi %get3A_593, %and3A_604 : vector<16xi32>
      %swap3A_606 = arith.constant 3 : i32
      %swap3A_607 = arith.index_cast %swap3A_606 : i32 to index
      %swap3A_608 = arith.constant 112 : index
      %swap3A_609 = tpu.vector_load %arg6[%swap3A_607, %swap3A_608] {strides = array<i32>} : memref<8x128xi32, #tpu.memory_space<vmem>>, vector<1x16xi32>,
      %swap3A_610 = vector.shape_cast %swap3A_609 : vector<1x16xi32> to vector<16xi32>
      %swap3A_611 = vector.shape_cast %and3A_605 : vector<16xi32> to vector<1x16xi32>
      tpu.vector_store %arg6[%swap3A_607, %swap3A_608], %swap3A_611 {strides = array<i32>} : memref<8x128xi32, #tpu.memory_space<vmem>>, vector<1x16xi32>,
      %dma_start3A_612 = arith.constant 2 : i32
      %dma_start3A_613 = arith.constant 0 : i32
      %dma_start3A_614 = tpu.memref_slice %arg6[%dma_start3A_612, %dma_start3A_613] : memref<8x128xi32, #tpu.memory_space<vmem>> -> memref<1x128xi32, #tpu.memory_space<vmem>>
      %dma_start3A_615 = tpu.memref_squeeze %dma_start3A_614 : memref<1x128xi32, #tpu.memory_space<vmem>> -> memref<128xi32, #tpu.memory_space<vmem>>
      %dma_start3A_616 = arith.constant 0 : i32
      %dma_start3A_617 = arith.constant 0 : i32
      %dma_start3A_618 = tpu.memref_slice %arg2[%dma_start3A_616, %dma_start3A_617] : memref<10240x128xf32, #tpu.memory_space<hbm>> -> memref<10240x128xf32, #tpu.memory_space<hbm>>
      tpu.enqueue_indirect_dma source(%dma_start3A_618 : memref<10240x128xf32, #tpu.memory_space<hbm>>) target(%arg8 : memref<128x128xf32, #tpu.memory_space<vmem>>) offsets(%dma_start3A_615 : memref<128xi32, #tpu.memory_space<vmem>>) semaphore(%arg11 : memref<!tpu.dma_semaphore, #tpu.memory_space<semaphore_mem>>)
      %dma_wait3A_619 = arith.constant 0 : i32
      %dma_wait3A_620 = arith.constant 0 : i32
      %dma_wait3A_621 = tpu.memref_slice %arg6[%dma_wait3A_619, %dma_wait3A_620] : memref<8x128xi32, #tpu.memory_space<vmem>> -> memref<1x128xi32, #tpu.memory_space<vmem>>
      %dma_wait3A_622 = tpu.memref_squeeze %dma_wait3A_621 : memref<1x128xi32, #tpu.memory_space<vmem>> -> memref<128xi32, #tpu.memory_space<vmem>>
      %dma_wait3A_623 = arith.constant 0 : i32
      %dma_wait3A_624 = arith.constant 0 : i32
      %dma_wait3A_625 = tpu.memref_slice %arg2[%dma_wait3A_623, %dma_wait3A_624] : memref<10240x128xf32, #tpu.memory_space<hbm>> -> memref<10240x128xf32, #tpu.memory_space<hbm>>
      tpu.wait_indirect_dma semaphore(%arg10 : memref<!tpu.dma_semaphore, #tpu.memory_space<semaphore_mem>>) src(%dma_wait3A_625 : memref<10240x128xf32, #tpu.memory_space<hbm>>) dst(%arg7 : memref<128x128xf32, #tpu.memory_space<vmem>>)
      %run_scoped3A_626 = arith.constant 1 : i32
      "tpu.region"() ({
        %run_scoped3A_821 = tpu.sem_alloc : memref<!tpu.dma_semaphore, #tpu.memory_space<semaphore_mem>>
        %dma_start3A_822 = arith.constant 0 : i32
        %dma_start3A_823 = tpu.memref_slice %arg6[%run_scoped3A_626, %dma_start3A_822] : memref<8x128xi32, #tpu.memory_space<vmem>> -> memref<1x128xi32, #tpu.memory_space<vmem>>
        %dma_start3A_824 = tpu.memref_squeeze %dma_start3A_823 : memref<1x128xi32, #tpu.memory_space<vmem>> -> memref<128xi32, #tpu.memory_space<vmem>>
        %dma_start3A_825 = arith.constant 0 : i32
        %dma_start3A_826 = arith.constant 0 : i32
        %dma_start3A_827 = tpu.memref_slice %arg9[%dma_start3A_825, %dma_start3A_826] : memref<10240x128xf32, #tpu.memory_space<vmem_shared>> -> memref<10240x128xf32, #tpu.memory_space<vmem_shared>>
        tpu.enqueue_indirect_dma source(%arg7 : memref<128x128xf32, #tpu.memory_space<vmem>>) target(%dma_start3A_827 : memref<10240x128xf32, #tpu.memory_space<vmem_shared>>) offsets(%dma_start3A_824 : memref<128xi32, #tpu.memory_space<vmem>>) semaphore(%run_scoped3A_821 : memref<!tpu.dma_semaphore, #tpu.memory_space<semaphore_mem>>) {add = true}
        %dma_wait3A_828 = arith.constant 0 : i32
        %dma_wait3A_829 = tpu.memref_slice %arg6[%run_scoped3A_626, %dma_wait3A_828] : memref<8x128xi32, #tpu.memory_space<vmem>> -> memref<1x128xi32, #tpu.memory_space<vmem>>
        %dma_wait3A_830 = tpu.memref_squeeze %dma_wait3A_829 : memref<1x128xi32, #tpu.memory_space<vmem>> -> memref<128xi32, #tpu.memory_space<vmem>>
        %dma_wait3A_831 = arith.constant 0 : i32
        %dma_wait3A_832 = arith.constant 0 : i32
        %dma_wait3A_833 = tpu.memref_slice %arg9[%dma_wait3A_831, %dma_wait3A_832] : memref<10240x128xf32, #tpu.memory_space<vmem_shared>> -> memref<10240x128xf32, #tpu.memory_space<vmem_shared>>
        tpu.wait_indirect_dma semaphore(%run_scoped3A_821 : memref<!tpu.dma_semaphore, #tpu.memory_space<semaphore_mem>>) src(%arg7 : memref<128x128xf32, #tpu.memory_space<vmem>>) dst(%dma_wait3A_833 : memref<10240x128xf32, #tpu.memory_space<vmem_shared>>)
        tpu.yield
      }) : () -> ()
      %add3A_627 = arith.constant 2 : i32
      %add3A_628 = arith.addi %mul3A_433, %add3A_627 : i32
      %get3A_629 = arith.index_cast %add3A_628 : i32 to index
      %get3A_630 = arith.constant 0 : index
      %get3A_631 = tpu.vector_load %arg5[%get3A_629, %get3A_630] {strides = array<i32>} : memref<80x128xi32, #tpu.memory_space<vmem>>, vector<1x16xi32>,
      %get3A_632 = vector.shape_cast %get3A_631 : vector<1x16xi32> to vector<16xi32>
      %shift_right_logical3A_633 = arith.constant 14 : i32
      %shift_right_logical3A_634 = vector.broadcast %shift_right_logical3A_633 : i32 to vector<16xi32>
      %shift_right_logical3A_635 = arith.shrui %get3A_632, %shift_right_logical3A_634 : vector<16xi32>
      %swap3A_636 = arith.constant 0 : i32
      %swap3A_637 = arith.index_cast %swap3A_636 : i32 to index
      %swap3A_638 = arith.constant 0 : index
      %swap3A_639 = tpu.vector_load %arg6[%swap3A_637, %swap3A_638] {strides = array<i32>} : memref<8x128xi32, #tpu.memory_space<vmem>>, vector<1x16xi32>,
      %swap3A_640 = vector.shape_cast %swap3A_639 : vector<1x16xi32> to vector<16xi32>
      %swap3A_641 = vector.shape_cast %shift_right_logical3A_635 : vector<16xi32> to vector<1x16xi32>
      tpu.vector_store %arg6[%swap3A_637, %swap3A_638], %swap3A_641 {strides = array<i32>} : memref<8x128xi32, #tpu.memory_space<vmem>>, vector<1x16xi32>,
      %and3A_642 = arith.constant 16383 : i32
      %and3A_643 = vector.broadcast %and3A_642 : i32 to vector<16xi32>
      %and3A_644 = arith.andi %get3A_632, %and3A_643 : vector<16xi32>
      %swap3A_645 = arith.constant 1 : i32
      %swap3A_646 = arith.index_cast %swap3A_645 : i32 to index
      %swap3A_647 = arith.constant 0 : index
      %swap3A_648 = tpu.vector_load %arg6[%swap3A_646, %swap3A_647] {strides = array<i32>} : memref<8x128xi32, #tpu.memory_space<vmem>>, vector<1x16xi32>,
      %swap3A_649 = vector.shape_cast %swap3A_648 : vector<1x16xi32> to vector<16xi32>
      %swap3A_650 = vector.shape_cast %and3A_644 : vector<16xi32> to vector<1x16xi32>
      tpu.vector_store %arg6[%swap3A_646, %swap3A_647], %swap3A_650 {strides = array<i32>} : memref<8x128xi32, #tpu.memory_space<vmem>>, vector<1x16xi32>,
      %get3A_651 = arith.index_cast %add3A_628 : i32 to index
      %get3A_652 = arith.constant 16 : index
      %get3A_653 = tpu.vector_load %arg5[%get3A_651, %get3A_652] {strides = array<i32>} : memref<80x128xi32, #tpu.memory_space<vmem>>, vector<1x16xi32>,
      %get3A_654 = vector.shape_cast %get3A_653 : vector<1x16xi32> to vector<16xi32>
      %shift_right_logical3A_655 = arith.constant 14 : i32
      %shift_right_logical3A_656 = vector.broadcast %shift_right_logical3A_655 : i32 to vector<16xi32>
      %shift_right_logical3A_657 = arith.shrui %get3A_654, %shift_right_logical3A_656 : vector<16xi32>
      %swap3A_658 = arith.constant 0 : i32
      %swap3A_659 = arith.index_cast %swap3A_658 : i32 to index
      %swap3A_660 = arith.constant 16 : index
      %swap3A_661 = tpu.vector_load %arg6[%swap3A_659, %swap3A_660] {strides = array<i32>} : memref<8x128xi32, #tpu.memory_space<vmem>>, vector<1x16xi32>,
      %swap3A_662 = vector.shape_cast %swap3A_661 : vector<1x16xi32> to vector<16xi32>
      %swap3A_663 = vector.shape_cast %shift_right_logical3A_657 : vector<16xi32> to vector<1x16xi32>
      tpu.vector_store %arg6[%swap3A_659, %swap3A_660], %swap3A_663 {strides = array<i32>} : memref<8x128xi32, #tpu.memory_space<vmem>>, vector<1x16xi32>,
      %and3A_664 = arith.constant 16383 : i32
      %and3A_665 = vector.broadcast %and3A_664 : i32 to vector<16xi32>
      %and3A_666 = arith.andi %get3A_654, %and3A_665 : vector<16xi32>
      %swap3A_667 = arith.constant 1 : i32
      %swap3A_668 = arith.index_cast %swap3A_667 : i32 to index
      %swap3A_669 = arith.constant 16 : index
      %swap3A_670 = tpu.vector_load %arg6[%swap3A_668, %swap3A_669] {strides = array<i32>} : memref<8x128xi32, #tpu.memory_space<vmem>>, vector<1x16xi32>,
      %swap3A_671 = vector.shape_cast %swap3A_670 : vector<1x16xi32> to vector<16xi32>
      %swap3A_672 = vector.shape_cast %and3A_666 : vector<16xi32> to vector<1x16xi32>
      tpu.vector_store %arg6[%swap3A_668, %swap3A_669], %swap3A_672 {strides = array<i32>} : memref<8x128xi32, #tpu.memory_space<vmem>>, vector<1x16xi32>,
      %get3A_673 = arith.index_cast %add3A_628 : i32 to index
      %get3A_674 = arith.constant 32 : index
      %get3A_675 = tpu.vector_load %arg5[%get3A_673, %get3A_674] {strides = array<i32>} : memref<80x128xi32, #tpu.memory_space<vmem>>, vector<1x16xi32>,
      %get3A_676 = vector.shape_cast %get3A_675 : vector<1x16xi32> to vector<16xi32>
      %shift_right_logical3A_677 = arith.constant 14 : i32
      %shift_right_logical3A_678 = vector.broadcast %shift_right_logical3A_677 : i32 to vector<16xi32>
      %shift_right_logical3A_679 = arith.shrui %get3A_676, %shift_right_logical3A_678 : vector<16xi32>
      %swap3A_680 = arith.constant 0 : i32
      %swap3A_681 = arith.index_cast %swap3A_680 : i32 to index
      %swap3A_682 = arith.constant 32 : index
      %swap3A_683 = tpu.vector_load %arg6[%swap3A_681, %swap3A_682] {strides = array<i32>} : memref<8x128xi32, #tpu.memory_space<vmem>>, vector<1x16xi32>,
      %swap3A_684 = vector.shape_cast %swap3A_683 : vector<1x16xi32> to vector<16xi32>
      %swap3A_685 = vector.shape_cast %shift_right_logical3A_679 : vector<16xi32> to vector<1x16xi32>
      tpu.vector_store %arg6[%swap3A_681, %swap3A_682], %swap3A_685 {strides = array<i32>} : memref<8x128xi32, #tpu.memory_space<vmem>>, vector<1x16xi32>,
      %and3A_686 = arith.constant 16383 : i32
      %and3A_687 = vector.broadcast %and3A_686 : i32 to vector<16xi32>
      %and3A_688 = arith.andi %get3A_676, %and3A_687 : vector<16xi32>
      %swap3A_689 = arith.constant 1 : i32
      %swap3A_690 = arith.index_cast %swap3A_689 : i32 to index
      %swap3A_691 = arith.constant 32 : index
      %swap3A_692 = tpu.vector_load %arg6[%swap3A_690, %swap3A_691] {strides = array<i32>} : memref<8x128xi32, #tpu.memory_space<vmem>>, vector<1x16xi32>,
      %swap3A_693 = vector.shape_cast %swap3A_692 : vector<1x16xi32> to vector<16xi32>
      %swap3A_694 = vector.shape_cast %and3A_688 : vector<16xi32> to vector<1x16xi32>
      tpu.vector_store %arg6[%swap3A_690, %swap3A_691], %swap3A_694 {strides = array<i32>} : memref<8x128xi32, #tpu.memory_space<vmem>>, vector<1x16xi32>,
      %get3A_695 = arith.index_cast %add3A_628 : i32 to index
      %get3A_696 = arith.constant 48 : index
      %get3A_697 = tpu.vector_load %arg5[%get3A_695, %get3A_696] {strides = array<i32>} : memref<80x128xi32, #tpu.memory_space<vmem>>, vector<1x16xi32>,
      %get3A_698 = vector.shape_cast %get3A_697 : vector<1x16xi32> to vector<16xi32>
      %shift_right_logical3A_699 = arith.constant 14 : i32
      %shift_right_logical3A_700 = vector.broadcast %shift_right_logical3A_699 : i32 to vector<16xi32>
      %shift_right_logical3A_701 = arith.shrui %get3A_698, %shift_right_logical3A_700 : vector<16xi32>
      %swap3A_702 = arith.constant 0 : i32
      %swap3A_703 = arith.index_cast %swap3A_702 : i32 to index
      %swap3A_704 = arith.constant 48 : index
      %swap3A_705 = tpu.vector_load %arg6[%swap3A_703, %swap3A_704] {strides = array<i32>} : memref<8x128xi32, #tpu.memory_space<vmem>>, vector<1x16xi32>,
      %swap3A_706 = vector.shape_cast %swap3A_705 : vector<1x16xi32> to vector<16xi32>
      %swap3A_707 = vector.shape_cast %shift_right_logical3A_701 : vector<16xi32> to vector<1x16xi32>
      tpu.vector_store %arg6[%swap3A_703, %swap3A_704], %swap3A_707 {strides = array<i32>} : memref<8x128xi32, #tpu.memory_space<vmem>>, vector<1x16xi32>,
      %and3A_708 = arith.constant 16383 : i32
      %and3A_709 = vector.broadcast %and3A_708 : i32 to vector<16xi32>
      %and3A_710 = arith.andi %get3A_698, %and3A_709 : vector<16xi32>
      %swap3A_711 = arith.constant 1 : i32
      %swap3A_712 = arith.index_cast %swap3A_711 : i32 to index
      %swap3A_713 = arith.constant 48 : index
      %swap3A_714 = tpu.vector_load %arg6[%swap3A_712, %swap3A_713] {strides = array<i32>} : memref<8x128xi32, #tpu.memory_space<vmem>>, vector<1x16xi32>,
      %swap3A_715 = vector.shape_cast %swap3A_714 : vector<1x16xi32> to vector<16xi32>
      %swap3A_716 = vector.shape_cast %and3A_710 : vector<16xi32> to vector<1x16xi32>
      tpu.vector_store %arg6[%swap3A_712, %swap3A_713], %swap3A_716 {strides = array<i32>} : memref<8x128xi32, #tpu.memory_space<vmem>>, vector<1x16xi32>,
      %get3A_717 = arith.index_cast %add3A_628 : i32 to index
      %get3A_718 = arith.constant 64 : index
      %get3A_719 = tpu.vector_load %arg5[%get3A_717, %get3A_718] {strides = array<i32>} : memref<80x128xi32, #tpu.memory_space<vmem>>, vector<1x16xi32>,
      %get3A_720 = vector.shape_cast %get3A_719 : vector<1x16xi32> to vector<16xi32>
      %shift_right_logical3A_721 = arith.constant 14 : i32
      %shift_right_logical3A_722 = vector.broadcast %shift_right_logical3A_721 : i32 to vector<16xi32>
      %shift_right_logical3A_723 = arith.shrui %get3A_720, %shift_right_logical3A_722 : vector<16xi32>
      %swap3A_724 = arith.constant 0 : i32
      %swap3A_725 = arith.index_cast %swap3A_724 : i32 to index
      %swap3A_726 = arith.constant 64 : index
      %swap3A_727 = tpu.vector_load %arg6[%swap3A_725, %swap3A_726] {strides = array<i32>} : memref<8x128xi32, #tpu.memory_space<vmem>>, vector<1x16xi32>,
      %swap3A_728 = vector.shape_cast %swap3A_727 : vector<1x16xi32> to vector<16xi32>
      %swap3A_729 = vector.shape_cast %shift_right_logical3A_723 : vector<16xi32> to vector<1x16xi32>
      tpu.vector_store %arg6[%swap3A_725, %swap3A_726], %swap3A_729 {strides = array<i32>} : memref<8x128xi32, #tpu.memory_space<vmem>>, vector<1x16xi32>,
      %and3A_730 = arith.constant 16383 : i32
      %and3A_731 = vector.broadcast %and3A_730 : i32 to vector<16xi32>
      %and3A_732 = arith.andi %get3A_720, %and3A_731 : vector<16xi32>
      %swap3A_733 = arith.constant 1 : i32
      %swap3A_734 = arith.index_cast %swap3A_733 : i32 to index
      %swap3A_735 = arith.constant 64 : index
      %swap3A_736 = tpu.vector_load %arg6[%swap3A_734, %swap3A_735] {strides = array<i32>} : memref<8x128xi32, #tpu.memory_space<vmem>>, vector<1x16xi32>,
      %swap3A_737 = vector.shape_cast %swap3A_736 : vector<1x16xi32> to vector<16xi32>
      %swap3A_738 = vector.shape_cast %and3A_732 : vector<16xi32> to vector<1x16xi32>
      tpu.vector_store %arg6[%swap3A_734, %swap3A_735], %swap3A_738 {strides = array<i32>} : memref<8x128xi32, #tpu.memory_space<vmem>>, vector<1x16xi32>,
      %get3A_739 = arith.index_cast %add3A_628 : i32 to index
      %get3A_740 = arith.constant 80 : index
      %get3A_741 = tpu.vector_load %arg5[%get3A_739, %get3A_740] {strides = array<i32>} : memref<80x128xi32, #tpu.memory_space<vmem>>, vector<1x16xi32>,
      %get3A_742 = vector.shape_cast %get3A_741 : vector<1x16xi32> to vector<16xi32>
      %shift_right_logical3A_743 = arith.constant 14 : i32
      %shift_right_logical3A_744 = vector.broadcast %shift_right_logical3A_743 : i32 to vector<16xi32>
      %shift_right_logical3A_745 = arith.shrui %get3A_742, %shift_right_logical3A_744 : vector<16xi32>
      %swap3A_746 = arith.constant 0 : i32
      %swap3A_747 = arith.index_cast %swap3A_746 : i32 to index
      %swap3A_748 = arith.constant 80 : index
      %swap3A_749 = tpu.vector_load %arg6[%swap3A_747, %swap3A_748] {strides = array<i32>} : memref<8x128xi32, #tpu.memory_space<vmem>>, vector<1x16xi32>,
      %swap3A_750 = vector.shape_cast %swap3A_749 : vector<1x16xi32> to vector<16xi32>
      %swap3A_751 = vector.shape_cast %shift_right_logical3A_745 : vector<16xi32> to vector<1x16xi32>
      tpu.vector_store %arg6[%swap3A_747, %swap3A_748], %swap3A_751 {strides = array<i32>} : memref<8x128xi32, #tpu.memory_space<vmem>>, vector<1x16xi32>,
      %and3A_752 = arith.constant 16383 : i32
      %and3A_753 = vector.broadcast %and3A_752 : i32 to vector<16xi32>
      %and3A_754 = arith.andi %get3A_742, %and3A_753 : vector<16xi32>
      %swap3A_755 = arith.constant 1 : i32
      %swap3A_756 = arith.index_cast %swap3A_755 : i32 to index
      %swap3A_757 = arith.constant 80 : index
      %swap3A_758 = tpu.vector_load %arg6[%swap3A_756, %swap3A_757] {strides = array<i32>} : memref<8x128xi32, #tpu.memory_space<vmem>>, vector<1x16xi32>,
      %swap3A_759 = vector.shape_cast %swap3A_758 : vector<1x16xi32> to vector<16xi32>
      %swap3A_760 = vector.shape_cast %and3A_754 : vector<16xi32> to vector<1x16xi32>
      tpu.vector_store %arg6[%swap3A_756, %swap3A_757], %swap3A_760 {strides = array<i32>} : memref<8x128xi32, #tpu.memory_space<vmem>>, vector<1x16xi32>,
      %get3A_761 = arith.index_cast %add3A_628 : i32 to index
      %get3A_762 = arith.constant 96 : index
      %get3A_763 = tpu.vector_load %arg5[%get3A_761, %get3A_762] {strides = array<i32>} : memref<80x128xi32, #tpu.memory_space<vmem>>, vector<1x16xi32>,
      %get3A_764 = vector.shape_cast %get3A_763 : vector<1x16xi32> to vector<16xi32>
      %shift_right_logical3A_765 = arith.constant 14 : i32
      %shift_right_logical3A_766 = vector.broadcast %shift_right_logical3A_765 : i32 to vector<16xi32>
      %shift_right_logical3A_767 = arith.shrui %get3A_764, %shift_right_logical3A_766 : vector<16xi32>
      %swap3A_768 = arith.constant 0 : i32
      %swap3A_769 = arith.index_cast %swap3A_768 : i32 to index
      %swap3A_770 = arith.constant 96 : index
      %swap3A_771 = tpu.vector_load %arg6[%swap3A_769, %swap3A_770] {strides = array<i32>} : memref<8x128xi32, #tpu.memory_space<vmem>>, vector<1x16xi32>,
      %swap3A_772 = vector.shape_cast %swap3A_771 : vector<1x16xi32> to vector<16xi32>
      %swap3A_773 = vector.shape_cast %shift_right_logical3A_767 : vector<16xi32> to vector<1x16xi32>
      tpu.vector_store %arg6[%swap3A_769, %swap3A_770], %swap3A_773 {strides = array<i32>} : memref<8x128xi32, #tpu.memory_space<vmem>>, vector<1x16xi32>,
      %and3A_774 = arith.constant 16383 : i32
      %and3A_775 = vector.broadcast %and3A_774 : i32 to vector<16xi32>
      %and3A_776 = arith.andi %get3A_764, %and3A_775 : vector<16xi32>
      %swap3A_777 = arith.constant 1 : i32
      %swap3A_778 = arith.index_cast %swap3A_777 : i32 to index
      %swap3A_779 = arith.constant 96 : index
      %swap3A_780 = tpu.vector_load %arg6[%swap3A_778, %swap3A_779] {strides = array<i32>} : memref<8x128xi32, #tpu.memory_space<vmem>>, vector<1x16xi32>,
      %swap3A_781 = vector.shape_cast %swap3A_780 : vector<1x16xi32> to vector<16xi32>
      %swap3A_782 = vector.shape_cast %and3A_776 : vector<16xi32> to vector<1x16xi32>
      tpu.vector_store %arg6[%swap3A_778, %swap3A_779], %swap3A_782 {strides = array<i32>} : memref<8x128xi32, #tpu.memory_space<vmem>>, vector<1x16xi32>,
      %get3A_783 = arith.index_cast %add3A_628 : i32 to index
      %get3A_784 = arith.constant 112 : index
      %get3A_785 = tpu.vector_load %arg5[%get3A_783, %get3A_784] {strides = array<i32>} : memref<80x128xi32, #tpu.memory_space<vmem>>, vector<1x16xi32>,
      %get3A_786 = vector.shape_cast %get3A_785 : vector<1x16xi32> to vector<16xi32>
      %shift_right_logical3A_787 = arith.constant 14 : i32
      %shift_right_logical3A_788 = vector.broadcast %shift_right_logical3A_787 : i32 to vector<16xi32>
      %shift_right_logical3A_789 = arith.shrui %get3A_786, %shift_right_logical3A_788 : vector<16xi32>
      %swap3A_790 = arith.constant 0 : i32
      %swap3A_791 = arith.index_cast %swap3A_790 : i32 to index
      %swap3A_792 = arith.constant 112 : index
      %swap3A_793 = tpu.vector_load %arg6[%swap3A_791, %swap3A_792] {strides = array<i32>} : memref<8x128xi32, #tpu.memory_space<vmem>>, vector<1x16xi32>,
      %swap3A_794 = vector.shape_cast %swap3A_793 : vector<1x16xi32> to vector<16xi32>
      %swap3A_795 = vector.shape_cast %shift_right_logical3A_789 : vector<16xi32> to vector<1x16xi32>
      tpu.vector_store %arg6[%swap3A_791, %swap3A_792], %swap3A_795 {strides = array<i32>} : memref<8x128xi32, #tpu.memory_space<vmem>>, vector<1x16xi32>,
      %and3A_796 = arith.constant 16383 : i32
      %and3A_797 = vector.broadcast %and3A_796 : i32 to vector<16xi32>
      %and3A_798 = arith.andi %get3A_786, %and3A_797 : vector<16xi32>
      %swap3A_799 = arith.constant 1 : i32
      %swap3A_800 = arith.index_cast %swap3A_799 : i32 to index
      %swap3A_801 = arith.constant 112 : index
      %swap3A_802 = tpu.vector_load %arg6[%swap3A_800, %swap3A_801] {strides = array<i32>} : memref<8x128xi32, #tpu.memory_space<vmem>>, vector<1x16xi32>,
      %swap3A_803 = vector.shape_cast %swap3A_802 : vector<1x16xi32> to vector<16xi32>
      %swap3A_804 = vector.shape_cast %and3A_798 : vector<16xi32> to vector<1x16xi32>
      tpu.vector_store %arg6[%swap3A_800, %swap3A_801], %swap3A_804 {strides = array<i32>} : memref<8x128xi32, #tpu.memory_space<vmem>>, vector<1x16xi32>,
      %dma_start3A_805 = arith.constant 0 : i32
      %dma_start3A_806 = arith.constant 0 : i32
      %dma_start3A_807 = tpu.memref_slice %arg6[%dma_start3A_805, %dma_start3A_806] : memref<8x128xi32, #tpu.memory_space<vmem>> -> memref<1x128xi32, #tpu.memory_space<vmem>>
      %dma_start3A_808 = tpu.memref_squeeze %dma_start3A_807 : memref<1x128xi32, #tpu.memory_space<vmem>> -> memref<128xi32, #tpu.memory_space<vmem>>
      %dma_start3A_809 = arith.constant 0 : i32
      %dma_start3A_810 = arith.constant 0 : i32
      %dma_start3A_811 = tpu.memref_slice %arg2[%dma_start3A_809, %dma_start3A_810] : memref<10240x128xf32, #tpu.memory_space<hbm>> -> memref<10240x128xf32, #tpu.memory_space<hbm>>
      tpu.enqueue_indirect_dma source(%dma_start3A_811 : memref<10240x128xf32, #tpu.memory_space<hbm>>) target(%arg7 : memref<128x128xf32, #tpu.memory_space<vmem>>) offsets(%dma_start3A_808 : memref<128xi32, #tpu.memory_space<vmem>>) semaphore(%arg10 : memref<!tpu.dma_semaphore, #tpu.memory_space<semaphore_mem>>)
      %dma_wait3A_812 = arith.constant 2 : i32
      %dma_wait3A_813 = arith.constant 0 : i32
      %dma_wait3A_814 = tpu.memref_slice %arg6[%dma_wait3A_812, %dma_wait3A_813] : memref<8x128xi32, #tpu.memory_space<vmem>> -> memref<1x128xi32, #tpu.memory_space<vmem>>
      %dma_wait3A_815 = tpu.memref_squeeze %dma_wait3A_814 : memref<1x128xi32, #tpu.memory_space<vmem>> -> memref<128xi32, #tpu.memory_space<vmem>>
      %dma_wait3A_816 = arith.constant 0 : i32
      %dma_wait3A_817 = arith.constant 0 : i32
      %dma_wait3A_818 = tpu.memref_slice %arg2[%dma_wait3A_816, %dma_wait3A_817] : memref<10240x128xf32, #tpu.memory_space<hbm>> -> memref<10240x128xf32, #tpu.memory_space<hbm>>
      tpu.wait_indirect_dma semaphore(%arg11 : memref<!tpu.dma_semaphore, #tpu.memory_space<semaphore_mem>>) src(%dma_wait3A_818 : memref<10240x128xf32, #tpu.memory_space<hbm>>) dst(%arg8 : memref<128x128xf32, #tpu.memory_space<vmem>>)
      %run_scoped3A_819 = arith.constant 3 : i32
      "tpu.region"() ({
        %run_scoped3A_821 = tpu.sem_alloc : memref<!tpu.dma_semaphore, #tpu.memory_space<semaphore_mem>>
        %dma_start3A_822 = arith.constant 0 : i32
        %dma_start3A_823 = tpu.memref_slice %arg6[%run_scoped3A_819, %dma_start3A_822] : memref<8x128xi32, #tpu.memory_space<vmem>> -> memref<1x128xi32, #tpu.memory_space<vmem>>
        %dma_start3A_824 = tpu.memref_squeeze %dma_start3A_823 : memref<1x128xi32, #tpu.memory_space<vmem>> -> memref<128xi32, #tpu.memory_space<vmem>>
        %dma_start3A_825 = arith.constant 0 : i32
        %dma_start3A_826 = arith.constant 0 : i32
        %dma_start3A_827 = tpu.memref_slice %arg9[%dma_start3A_825, %dma_start3A_826] : memref<10240x128xf32, #tpu.memory_space<vmem_shared>> -> memref<10240x128xf32, #tpu.memory_space<vmem_shared>>
        tpu.enqueue_indirect_dma source(%arg8 : memref<128x128xf32, #tpu.memory_space<vmem>>) target(%dma_start3A_827 : memref<10240x128xf32, #tpu.memory_space<vmem_shared>>) offsets(%dma_start3A_824 : memref<128xi32, #tpu.memory_space<vmem>>) semaphore(%run_scoped3A_821 : memref<!tpu.dma_semaphore, #tpu.memory_space<semaphore_mem>>) {add = true}
        %dma_wait3A_828 = arith.constant 0 : i32
        %dma_wait3A_829 = tpu.memref_slice %arg6[%run_scoped3A_819, %dma_wait3A_828] : memref<8x128xi32, #tpu.memory_space<vmem>> -> memref<1x128xi32, #tpu.memory_space<vmem>>
        %dma_wait3A_830 = tpu.memref_squeeze %dma_wait3A_829 : memref<1x128xi32, #tpu.memory_space<vmem>> -> memref<128xi32, #tpu.memory_space<vmem>>
        %dma_wait3A_831 = arith.constant 0 : i32
        %dma_wait3A_832 = arith.constant 0 : i32
        %dma_wait3A_833 = tpu.memref_slice %arg9[%dma_wait3A_831, %dma_wait3A_832] : memref<10240x128xf32, #tpu.memory_space<vmem_shared>> -> memref<10240x128xf32, #tpu.memory_space<vmem_shared>>
        tpu.wait_indirect_dma semaphore(%run_scoped3A_821 : memref<!tpu.dma_semaphore, #tpu.memory_space<semaphore_mem>>) src(%arg8 : memref<128x128xf32, #tpu.memory_space<vmem>>) dst(%dma_wait3A_833 : memref<10240x128xf32, #tpu.memory_space<vmem_shared>>)
        tpu.yield
      }) : () -> ()
      %scan3A_820 = arith.constant 0 : i32
      scf.yield %scan3A_820 : i32
    }
    %scan3A_219 = arith.constant 39 : i32
    %get3A_220 = arith.constant 79 : i32
    %get3A_221 = arith.index_cast %get3A_220 : i32 to index
    %get3A_222 = arith.constant 0 : index
    %get3A_223 = tpu.vector_load %arg5[%get3A_221, %get3A_222] {strides = array<i32>} : memref<80x128xi32, #tpu.memory_space<vmem>>, vector<1x16xi32>,
    %get3A_224 = vector.shape_cast %get3A_223 : vector<1x16xi32> to vector<16xi32>
    %shift_right_logical3A_225 = arith.constant 14 : i32
    %shift_right_logical3A_226 = vector.broadcast %shift_right_logical3A_225 : i32 to vector<16xi32>
    %shift_right_logical3A_227 = arith.shrui %get3A_224, %shift_right_logical3A_226 : vector<16xi32>
    %swap3A_228 = arith.constant 2 : i32
    %swap3A_229 = arith.index_cast %swap3A_228 : i32 to index
    %swap3A_230 = arith.constant 0 : index
    %swap3A_231 = tpu.vector_load %arg6[%swap3A_229, %swap3A_230] {strides = array<i32>} : memref<8x128xi32, #tpu.memory_space<vmem>>, vector<1x16xi32>,
    %swap3A_232 = vector.shape_cast %swap3A_231 : vector<1x16xi32> to vector<16xi32>
    %swap3A_233 = vector.shape_cast %shift_right_logical3A_227 : vector<16xi32> to vector<1x16xi32>
    tpu.vector_store %arg6[%swap3A_229, %swap3A_230], %swap3A_233 {strides = array<i32>} : memref<8x128xi32, #tpu.memory_space<vmem>>, vector<1x16xi32>,
    %and3A_234 = arith.constant 16383 : i32
    %and3A_235 = vector.broadcast %and3A_234 : i32 to vector<16xi32>
    %and3A_236 = arith.andi %get3A_224, %and3A_235 : vector<16xi32>
    %swap3A_237 = arith.constant 3 : i32
    %swap3A_238 = arith.index_cast %swap3A_237 : i32 to index
    %swap3A_239 = arith.constant 0 : index
    %swap3A_240 = tpu.vector_load %arg6[%swap3A_238, %swap3A_239] {strides = array<i32>} : memref<8x128xi32, #tpu.memory_space<vmem>>, vector<1x16xi32>,
    %swap3A_241 = vector.shape_cast %swap3A_240 : vector<1x16xi32> to vector<16xi32>
    %swap3A_242 = vector.shape_cast %and3A_236 : vector<16xi32> to vector<1x16xi32>
    tpu.vector_store %arg6[%swap3A_238, %swap3A_239], %swap3A_242 {strides = array<i32>} : memref<8x128xi32, #tpu.memory_space<vmem>>, vector<1x16xi32>,
    %get3A_243 = arith.constant 79 : i32
    %get3A_244 = arith.index_cast %get3A_243 : i32 to index
    %get3A_245 = arith.constant 16 : index
    %get3A_246 = tpu.vector_load %arg5[%get3A_244, %get3A_245] {strides = array<i32>} : memref<80x128xi32, #tpu.memory_space<vmem>>, vector<1x16xi32>,
    %get3A_247 = vector.shape_cast %get3A_246 : vector<1x16xi32> to vector<16xi32>
    %shift_right_logical3A_248 = arith.constant 14 : i32
    %shift_right_logical3A_249 = vector.broadcast %shift_right_logical3A_248 : i32 to vector<16xi32>
    %shift_right_logical3A_250 = arith.shrui %get3A_247, %shift_right_logical3A_249 : vector<16xi32>
    %swap3A_251 = arith.constant 2 : i32
    %swap3A_252 = arith.index_cast %swap3A_251 : i32 to index
    %swap3A_253 = arith.constant 16 : index
    %swap3A_254 = tpu.vector_load %arg6[%swap3A_252, %swap3A_253] {strides = array<i32>} : memref<8x128xi32, #tpu.memory_space<vmem>>, vector<1x16xi32>,
    %swap3A_255 = vector.shape_cast %swap3A_254 : vector<1x16xi32> to vector<16xi32>
    %swap3A_256 = vector.shape_cast %shift_right_logical3A_250 : vector<16xi32> to vector<1x16xi32>
    tpu.vector_store %arg6[%swap3A_252, %swap3A_253], %swap3A_256 {strides = array<i32>} : memref<8x128xi32, #tpu.memory_space<vmem>>, vector<1x16xi32>,
    %and3A_257 = arith.constant 16383 : i32
    %and3A_258 = vector.broadcast %and3A_257 : i32 to vector<16xi32>
    %and3A_259 = arith.andi %get3A_247, %and3A_258 : vector<16xi32>
    %swap3A_260 = arith.constant 3 : i32
    %swap3A_261 = arith.index_cast %swap3A_260 : i32 to index
    %swap3A_262 = arith.constant 16 : index
    %swap3A_263 = tpu.vector_load %arg6[%swap3A_261, %swap3A_262] {strides = array<i32>} : memref<8x128xi32, #tpu.memory_space<vmem>>, vector<1x16xi32>,
    %swap3A_264 = vector.shape_cast %swap3A_263 : vector<1x16xi32> to vector<16xi32>
    %swap3A_265 = vector.shape_cast %and3A_259 : vector<16xi32> to vector<1x16xi32>
    tpu.vector_store %arg6[%swap3A_261, %swap3A_262], %swap3A_265 {strides = array<i32>} : memref<8x128xi32, #tpu.memory_space<vmem>>, vector<1x16xi32>,
    %get3A_266 = arith.constant 79 : i32
    %get3A_267 = arith.index_cast %get3A_266 : i32 to index
    %get3A_268 = arith.constant 32 : index
    %get3A_269 = tpu.vector_load %arg5[%get3A_267, %get3A_268] {strides = array<i32>} : memref<80x128xi32, #tpu.memory_space<vmem>>, vector<1x16xi32>,
    %get3A_270 = vector.shape_cast %get3A_269 : vector<1x16xi32> to vector<16xi32>
    %shift_right_logical3A_271 = arith.constant 14 : i32
    %shift_right_logical3A_272 = vector.broadcast %shift_right_logical3A_271 : i32 to vector<16xi32>
    %shift_right_logical3A_273 = arith.shrui %get3A_270, %shift_right_logical3A_272 : vector<16xi32>
    %swap3A_274 = arith.constant 2 : i32
    %swap3A_275 = arith.index_cast %swap3A_274 : i32 to index
    %swap3A_276 = arith.constant 32 : index
    %swap3A_277 = tpu.vector_load %arg6[%swap3A_275, %swap3A_276] {strides = array<i32>} : memref<8x128xi32, #tpu.memory_space<vmem>>, vector<1x16xi32>,
    %swap3A_278 = vector.shape_cast %swap3A_277 : vector<1x16xi32> to vector<16xi32>
    %swap3A_279 = vector.shape_cast %shift_right_logical3A_273 : vector<16xi32> to vector<1x16xi32>
    tpu.vector_store %arg6[%swap3A_275, %swap3A_276], %swap3A_279 {strides = array<i32>} : memref<8x128xi32, #tpu.memory_space<vmem>>, vector<1x16xi32>,
    %and3A_280 = arith.constant 16383 : i32
    %and3A_281 = vector.broadcast %and3A_280 : i32 to vector<16xi32>
    %and3A_282 = arith.andi %get3A_270, %and3A_281 : vector<16xi32>
    %swap3A_283 = arith.constant 3 : i32
    %swap3A_284 = arith.index_cast %swap3A_283 : i32 to index
    %swap3A_285 = arith.constant 32 : index
    %swap3A_286 = tpu.vector_load %arg6[%swap3A_284, %swap3A_285] {strides = array<i32>} : memref<8x128xi32, #tpu.memory_space<vmem>>, vector<1x16xi32>,
    %swap3A_287 = vector.shape_cast %swap3A_286 : vector<1x16xi32> to vector<16xi32>
    %swap3A_288 = vector.shape_cast %and3A_282 : vector<16xi32> to vector<1x16xi32>
    tpu.vector_store %arg6[%swap3A_284, %swap3A_285], %swap3A_288 {strides = array<i32>} : memref<8x128xi32, #tpu.memory_space<vmem>>, vector<1x16xi32>,
    %get3A_289 = arith.constant 79 : i32
    %get3A_290 = arith.index_cast %get3A_289 : i32 to index
    %get3A_291 = arith.constant 48 : index
    %get3A_292 = tpu.vector_load %arg5[%get3A_290, %get3A_291] {strides = array<i32>} : memref<80x128xi32, #tpu.memory_space<vmem>>, vector<1x16xi32>,
    %get3A_293 = vector.shape_cast %get3A_292 : vector<1x16xi32> to vector<16xi32>
    %shift_right_logical3A_294 = arith.constant 14 : i32
    %shift_right_logical3A_295 = vector.broadcast %shift_right_logical3A_294 : i32 to vector<16xi32>
    %shift_right_logical3A_296 = arith.shrui %get3A_293, %shift_right_logical3A_295 : vector<16xi32>
    %swap3A_297 = arith.constant 2 : i32
    %swap3A_298 = arith.index_cast %swap3A_297 : i32 to index
    %swap3A_299 = arith.constant 48 : index
    %swap3A_300 = tpu.vector_load %arg6[%swap3A_298, %swap3A_299] {strides = array<i32>} : memref<8x128xi32, #tpu.memory_space<vmem>>, vector<1x16xi32>,
    %swap3A_301 = vector.shape_cast %swap3A_300 : vector<1x16xi32> to vector<16xi32>
    %swap3A_302 = vector.shape_cast %shift_right_logical3A_296 : vector<16xi32> to vector<1x16xi32>
    tpu.vector_store %arg6[%swap3A_298, %swap3A_299], %swap3A_302 {strides = array<i32>} : memref<8x128xi32, #tpu.memory_space<vmem>>, vector<1x16xi32>,
    %and3A_303 = arith.constant 16383 : i32
    %and3A_304 = vector.broadcast %and3A_303 : i32 to vector<16xi32>
    %and3A_305 = arith.andi %get3A_293, %and3A_304 : vector<16xi32>
    %swap3A_306 = arith.constant 3 : i32
    %swap3A_307 = arith.index_cast %swap3A_306 : i32 to index
    %swap3A_308 = arith.constant 48 : index
    %swap3A_309 = tpu.vector_load %arg6[%swap3A_307, %swap3A_308] {strides = array<i32>} : memref<8x128xi32, #tpu.memory_space<vmem>>, vector<1x16xi32>,
    %swap3A_310 = vector.shape_cast %swap3A_309 : vector<1x16xi32> to vector<16xi32>
    %swap3A_311 = vector.shape_cast %and3A_305 : vector<16xi32> to vector<1x16xi32>
    tpu.vector_store %arg6[%swap3A_307, %swap3A_308], %swap3A_311 {strides = array<i32>} : memref<8x128xi32, #tpu.memory_space<vmem>>, vector<1x16xi32>,
    %get3A_312 = arith.constant 79 : i32
    %get3A_313 = arith.index_cast %get3A_312 : i32 to index
    %get3A_314 = arith.constant 64 : index
    %get3A_315 = tpu.vector_load %arg5[%get3A_313, %get3A_314] {strides = array<i32>} : memref<80x128xi32, #tpu.memory_space<vmem>>, vector<1x16xi32>,
    %get3A_316 = vector.shape_cast %get3A_315 : vector<1x16xi32> to vector<16xi32>
    %shift_right_logical3A_317 = arith.constant 14 : i32
    %shift_right_logical3A_318 = vector.broadcast %shift_right_logical3A_317 : i32 to vector<16xi32>
    %shift_right_logical3A_319 = arith.shrui %get3A_316, %shift_right_logical3A_318 : vector<16xi32>
    %swap3A_320 = arith.constant 2 : i32
    %swap3A_321 = arith.index_cast %swap3A_320 : i32 to index
    %swap3A_322 = arith.constant 64 : index
    %swap3A_323 = tpu.vector_load %arg6[%swap3A_321, %swap3A_322] {strides = array<i32>} : memref<8x128xi32, #tpu.memory_space<vmem>>, vector<1x16xi32>,
    %swap3A_324 = vector.shape_cast %swap3A_323 : vector<1x16xi32> to vector<16xi32>
    %swap3A_325 = vector.shape_cast %shift_right_logical3A_319 : vector<16xi32> to vector<1x16xi32>
    tpu.vector_store %arg6[%swap3A_321, %swap3A_322], %swap3A_325 {strides = array<i32>} : memref<8x128xi32, #tpu.memory_space<vmem>>, vector<1x16xi32>,
    %and3A_326 = arith.constant 16383 : i32
    %and3A_327 = vector.broadcast %and3A_326 : i32 to vector<16xi32>
    %and3A_328 = arith.andi %get3A_316, %and3A_327 : vector<16xi32>
    %swap3A_329 = arith.constant 3 : i32
    %swap3A_330 = arith.index_cast %swap3A_329 : i32 to index
    %swap3A_331 = arith.constant 64 : index
    %swap3A_332 = tpu.vector_load %arg6[%swap3A_330, %swap3A_331] {strides = array<i32>} : memref<8x128xi32, #tpu.memory_space<vmem>>, vector<1x16xi32>,
    %swap3A_333 = vector.shape_cast %swap3A_332 : vector<1x16xi32> to vector<16xi32>
    %swap3A_334 = vector.shape_cast %and3A_328 : vector<16xi32> to vector<1x16xi32>
    tpu.vector_store %arg6[%swap3A_330, %swap3A_331], %swap3A_334 {strides = array<i32>} : memref<8x128xi32, #tpu.memory_space<vmem>>, vector<1x16xi32>,
    %get3A_335 = arith.constant 79 : i32
    %get3A_336 = arith.index_cast %get3A_335 : i32 to index
    %get3A_337 = arith.constant 80 : index
    %get3A_338 = tpu.vector_load %arg5[%get3A_336, %get3A_337] {strides = array<i32>} : memref<80x128xi32, #tpu.memory_space<vmem>>, vector<1x16xi32>,
    %get3A_339 = vector.shape_cast %get3A_338 : vector<1x16xi32> to vector<16xi32>
    %shift_right_logical3A_340 = arith.constant 14 : i32
    %shift_right_logical3A_341 = vector.broadcast %shift_right_logical3A_340 : i32 to vector<16xi32>
    %shift_right_logical3A_342 = arith.shrui %get3A_339, %shift_right_logical3A_341 : vector<16xi32>
    %swap3A_343 = arith.constant 2 : i32
    %swap3A_344 = arith.index_cast %swap3A_343 : i32 to index
    %swap3A_345 = arith.constant 80 : index
    %swap3A_346 = tpu.vector_load %arg6[%swap3A_344, %swap3A_345] {strides = array<i32>} : memref<8x128xi32, #tpu.memory_space<vmem>>, vector<1x16xi32>,
    %swap3A_347 = vector.shape_cast %swap3A_346 : vector<1x16xi32> to vector<16xi32>
    %swap3A_348 = vector.shape_cast %shift_right_logical3A_342 : vector<16xi32> to vector<1x16xi32>
    tpu.vector_store %arg6[%swap3A_344, %swap3A_345], %swap3A_348 {strides = array<i32>} : memref<8x128xi32, #tpu.memory_space<vmem>>, vector<1x16xi32>,
    %and3A_349 = arith.constant 16383 : i32
    %and3A_350 = vector.broadcast %and3A_349 : i32 to vector<16xi32>
    %and3A_351 = arith.andi %get3A_339, %and3A_350 : vector<16xi32>
    %swap3A_352 = arith.constant 3 : i32
    %swap3A_353 = arith.index_cast %swap3A_352 : i32 to index
    %swap3A_354 = arith.constant 80 : index
    %swap3A_355 = tpu.vector_load %arg6[%swap3A_353, %swap3A_354] {strides = array<i32>} : memref<8x128xi32, #tpu.memory_space<vmem>>, vector<1x16xi32>,
    %swap3A_356 = vector.shape_cast %swap3A_355 : vector<1x16xi32> to vector<16xi32>
    %swap3A_357 = vector.shape_cast %and3A_351 : vector<16xi32> to vector<1x16xi32>
    tpu.vector_store %arg6[%swap3A_353, %swap3A_354], %swap3A_357 {strides = array<i32>} : memref<8x128xi32, #tpu.memory_space<vmem>>, vector<1x16xi32>,
    %get3A_358 = arith.constant 79 : i32
    %get3A_359 = arith.index_cast %get3A_358 : i32 to index
    %get3A_360 = arith.constant 96 : index
    %get3A_361 = tpu.vector_load %arg5[%get3A_359, %get3A_360] {strides = array<i32>} : memref<80x128xi32, #tpu.memory_space<vmem>>, vector<1x16xi32>,
    %get3A_362 = vector.shape_cast %get3A_361 : vector<1x16xi32> to vector<16xi32>
    %shift_right_logical3A_363 = arith.constant 14 : i32
    %shift_right_logical3A_364 = vector.broadcast %shift_right_logical3A_363 : i32 to vector<16xi32>
    %shift_right_logical3A_365 = arith.shrui %get3A_362, %shift_right_logical3A_364 : vector<16xi32>
    %swap3A_366 = arith.constant 2 : i32
    %swap3A_367 = arith.index_cast %swap3A_366 : i32 to index
    %swap3A_368 = arith.constant 96 : index
    %swap3A_369 = tpu.vector_load %arg6[%swap3A_367, %swap3A_368] {strides = array<i32>} : memref<8x128xi32, #tpu.memory_space<vmem>>, vector<1x16xi32>,
    %swap3A_370 = vector.shape_cast %swap3A_369 : vector<1x16xi32> to vector<16xi32>
    %swap3A_371 = vector.shape_cast %shift_right_logical3A_365 : vector<16xi32> to vector<1x16xi32>
    tpu.vector_store %arg6[%swap3A_367, %swap3A_368], %swap3A_371 {strides = array<i32>} : memref<8x128xi32, #tpu.memory_space<vmem>>, vector<1x16xi32>,
    %and3A_372 = arith.constant 16383 : i32
    %and3A_373 = vector.broadcast %and3A_372 : i32 to vector<16xi32>
    %and3A_374 = arith.andi %get3A_362, %and3A_373 : vector<16xi32>
    %swap3A_375 = arith.constant 3 : i32
    %swap3A_376 = arith.index_cast %swap3A_375 : i32 to index
    %swap3A_377 = arith.constant 96 : index
    %swap3A_378 = tpu.vector_load %arg6[%swap3A_376, %swap3A_377] {strides = array<i32>} : memref<8x128xi32, #tpu.memory_space<vmem>>, vector<1x16xi32>,
    %swap3A_379 = vector.shape_cast %swap3A_378 : vector<1x16xi32> to vector<16xi32>
    %swap3A_380 = vector.shape_cast %and3A_374 : vector<16xi32> to vector<1x16xi32>
    tpu.vector_store %arg6[%swap3A_376, %swap3A_377], %swap3A_380 {strides = array<i32>} : memref<8x128xi32, #tpu.memory_space<vmem>>, vector<1x16xi32>,
    %get3A_381 = arith.constant 79 : i32
    %get3A_382 = arith.index_cast %get3A_381 : i32 to index
    %get3A_383 = arith.constant 112 : index
    %get3A_384 = tpu.vector_load %arg5[%get3A_382, %get3A_383] {strides = array<i32>} : memref<80x128xi32, #tpu.memory_space<vmem>>, vector<1x16xi32>,
    %get3A_385 = vector.shape_cast %get3A_384 : vector<1x16xi32> to vector<16xi32>
    %shift_right_logical3A_386 = arith.constant 14 : i32
    %shift_right_logical3A_387 = vector.broadcast %shift_right_logical3A_386 : i32 to vector<16xi32>
    %shift_right_logical3A_388 = arith.shrui %get3A_385, %shift_right_logical3A_387 : vector<16xi32>
    %swap3A_389 = arith.constant 2 : i32
    %swap3A_390 = arith.index_cast %swap3A_389 : i32 to index
    %swap3A_391 = arith.constant 112 : index
    %swap3A_392 = tpu.vector_load %arg6[%swap3A_390, %swap3A_391] {strides = array<i32>} : memref<8x128xi32, #tpu.memory_space<vmem>>, vector<1x16xi32>,
    %swap3A_393 = vector.shape_cast %swap3A_392 : vector<1x16xi32> to vector<16xi32>
    %swap3A_394 = vector.shape_cast %shift_right_logical3A_388 : vector<16xi32> to vector<1x16xi32>
    tpu.vector_store %arg6[%swap3A_390, %swap3A_391], %swap3A_394 {strides = array<i32>} : memref<8x128xi32, #tpu.memory_space<vmem>>, vector<1x16xi32>,
    %and3A_395 = arith.constant 16383 : i32
    %and3A_396 = vector.broadcast %and3A_395 : i32 to vector<16xi32>
    %and3A_397 = arith.andi %get3A_385, %and3A_396 : vector<16xi32>
    %swap3A_398 = arith.constant 3 : i32
    %swap3A_399 = arith.index_cast %swap3A_398 : i32 to index
    %swap3A_400 = arith.constant 112 : index
    %swap3A_401 = tpu.vector_load %arg6[%swap3A_399, %swap3A_400] {strides = array<i32>} : memref<8x128xi32, #tpu.memory_space<vmem>>, vector<1x16xi32>,
    %swap3A_402 = vector.shape_cast %swap3A_401 : vector<1x16xi32> to vector<16xi32>
    %swap3A_403 = vector.shape_cast %and3A_397 : vector<16xi32> to vector<1x16xi32>
    tpu.vector_store %arg6[%swap3A_399, %swap3A_400], %swap3A_403 {strides = array<i32>} : memref<8x128xi32, #tpu.memory_space<vmem>>, vector<1x16xi32>,
    %dma_start3A_404 = arith.constant 2 : i32
    %dma_start3A_405 = arith.constant 0 : i32
    %dma_start3A_406 = tpu.memref_slice %arg6[%dma_start3A_404, %dma_start3A_405] : memref<8x128xi32, #tpu.memory_space<vmem>> -> memref<1x128xi32, #tpu.memory_space<vmem>>
    %dma_start3A_407 = tpu.memref_squeeze %dma_start3A_406 : memref<1x128xi32, #tpu.memory_space<vmem>> -> memref<128xi32, #tpu.memory_space<vmem>>
    %dma_start3A_408 = arith.constant 0 : i32
    %dma_start3A_409 = arith.constant 0 : i32
    %dma_start3A_410 = tpu.memref_slice %arg2[%dma_start3A_408, %dma_start3A_409] : memref<10240x128xf32, #tpu.memory_space<hbm>> -> memref<10240x128xf32, #tpu.memory_space<hbm>>
    tpu.enqueue_indirect_dma source(%dma_start3A_410 : memref<10240x128xf32, #tpu.memory_space<hbm>>) target(%arg8 : memref<128x128xf32, #tpu.memory_space<vmem>>) offsets(%dma_start3A_407 : memref<128xi32, #tpu.memory_space<vmem>>) semaphore(%arg11 : memref<!tpu.dma_semaphore, #tpu.memory_space<semaphore_mem>>)
    %dma_wait3A = arith.constant 0 : i32
    %dma_wait3A_411 = arith.constant 0 : i32
    %dma_wait3A_412 = tpu.memref_slice %arg6[%dma_wait3A, %dma_wait3A_411] : memref<8x128xi32, #tpu.memory_space<vmem>> -> memref<1x128xi32, #tpu.memory_space<vmem>>
    %dma_wait3A_413 = tpu.memref_squeeze %dma_wait3A_412 : memref<1x128xi32, #tpu.memory_space<vmem>> -> memref<128xi32, #tpu.memory_space<vmem>>
    %dma_wait3A_414 = arith.constant 0 : i32
    %dma_wait3A_415 = arith.constant 0 : i32
    %dma_wait3A_416 = tpu.memref_slice %arg2[%dma_wait3A_414, %dma_wait3A_415] : memref<10240x128xf32, #tpu.memory_space<hbm>> -> memref<10240x128xf32, #tpu.memory_space<hbm>>
    tpu.wait_indirect_dma semaphore(%arg10 : memref<!tpu.dma_semaphore, #tpu.memory_space<semaphore_mem>>) src(%dma_wait3A_416 : memref<10240x128xf32, #tpu.memory_space<hbm>>) dst(%arg7 : memref<128x128xf32, #tpu.memory_space<vmem>>)
    %run_scoped3A = arith.constant 1 : i32
    "tpu.region"() ({
      %run_scoped3A_430 = tpu.sem_alloc : memref<!tpu.dma_semaphore, #tpu.memory_space<semaphore_mem>>
      %dma_start3A_431 = arith.constant 0 : i32
      %dma_start3A_432 = tpu.memref_slice %arg6[%run_scoped3A, %dma_start3A_431] : memref<8x128xi32, #tpu.memory_space<vmem>> -> memref<1x128xi32, #tpu.memory_space<vmem>>
      %dma_start3A_433 = tpu.memref_squeeze %dma_start3A_432 : memref<1x128xi32, #tpu.memory_space<vmem>> -> memref<128xi32, #tpu.memory_space<vmem>>
      %dma_start3A_434 = arith.constant 0 : i32
      %dma_start3A_435 = arith.constant 0 : i32
      %dma_start3A_436 = tpu.memref_slice %arg9[%dma_start3A_434, %dma_start3A_435] : memref<10240x128xf32, #tpu.memory_space<vmem_shared>> -> memref<10240x128xf32, #tpu.memory_space<vmem_shared>>
      tpu.enqueue_indirect_dma source(%arg7 : memref<128x128xf32, #tpu.memory_space<vmem>>) target(%dma_start3A_436 : memref<10240x128xf32, #tpu.memory_space<vmem_shared>>) offsets(%dma_start3A_433 : memref<128xi32, #tpu.memory_space<vmem>>) semaphore(%run_scoped3A_430 : memref<!tpu.dma_semaphore, #tpu.memory_space<semaphore_mem>>) {add = true}
      %dma_wait3A_437 = arith.constant 0 : i32
      %dma_wait3A_438 = tpu.memref_slice %arg6[%run_scoped3A, %dma_wait3A_437] : memref<8x128xi32, #tpu.memory_space<vmem>> -> memref<1x128xi32, #tpu.memory_space<vmem>>
      %dma_wait3A_439 = tpu.memref_squeeze %dma_wait3A_438 : memref<1x128xi32, #tpu.memory_space<vmem>> -> memref<128xi32, #tpu.memory_space<vmem>>
      %dma_wait3A_440 = arith.constant 0 : i32
      %dma_wait3A_441 = arith.constant 0 : i32
      %dma_wait3A_442 = tpu.memref_slice %arg9[%dma_wait3A_440, %dma_wait3A_441] : memref<10240x128xf32, #tpu.memory_space<vmem_shared>> -> memref<10240x128xf32, #tpu.memory_space<vmem_shared>>
      tpu.wait_indirect_dma semaphore(%run_scoped3A_430 : memref<!tpu.dma_semaphore, #tpu.memory_space<semaphore_mem>>) src(%arg7 : memref<128x128xf32, #tpu.memory_space<vmem>>) dst(%dma_wait3A_442 : memref<10240x128xf32, #tpu.memory_space<vmem_shared>>)
      tpu.yield
    }) : () -> ()
    %dma_wait3A_417 = arith.constant 2 : i32
    %dma_wait3A_418 = arith.constant 0 : i32
    %dma_wait3A_419 = tpu.memref_slice %arg6[%dma_wait3A_417, %dma_wait3A_418] : memref<8x128xi32, #tpu.memory_space<vmem>> -> memref<1x128xi32, #tpu.memory_space<vmem>>
    %dma_wait3A_420 = tpu.memref_squeeze %dma_wait3A_419 : memref<1x128xi32, #tpu.memory_space<vmem>> -> memref<128xi32, #tpu.memory_space<vmem>>
    %dma_wait3A_421 = arith.constant 0 : i32
    %dma_wait3A_422 = arith.constant 0 : i32
    %dma_wait3A_423 = tpu.memref_slice %arg2[%dma_wait3A_421, %dma_wait3A_422] : memref<10240x128xf32, #tpu.memory_space<hbm>> -> memref<10240x128xf32, #tpu.memory_space<hbm>>
    tpu.wait_indirect_dma semaphore(%arg11 : memref<!tpu.dma_semaphore, #tpu.memory_space<semaphore_mem>>) src(%dma_wait3A_423 : memref<10240x128xf32, #tpu.memory_space<hbm>>) dst(%arg8 : memref<128x128xf32, #tpu.memory_space<vmem>>)
    %run_scoped3A_424 = arith.constant 3 : i32
    "tpu.region"() ({
      %run_scoped3A_430 = tpu.sem_alloc : memref<!tpu.dma_semaphore, #tpu.memory_space<semaphore_mem>>
      %dma_start3A_431 = arith.constant 0 : i32
      %dma_start3A_432 = tpu.memref_slice %arg6[%run_scoped3A_424, %dma_start3A_431] : memref<8x128xi32, #tpu.memory_space<vmem>> -> memref<1x128xi32, #tpu.memory_space<vmem>>
      %dma_start3A_433 = tpu.memref_squeeze %dma_start3A_432 : memref<1x128xi32, #tpu.memory_space<vmem>> -> memref<128xi32, #tpu.memory_space<vmem>>
      %dma_start3A_434 = arith.constant 0 : i32
      %dma_start3A_435 = arith.constant 0 : i32
      %dma_start3A_436 = tpu.memref_slice %arg9[%dma_start3A_434, %dma_start3A_435] : memref<10240x128xf32, #tpu.memory_space<vmem_shared>> -> memref<10240x128xf32, #tpu.memory_space<vmem_shared>>
      tpu.enqueue_indirect_dma source(%arg8 : memref<128x128xf32, #tpu.memory_space<vmem>>) target(%dma_start3A_436 : memref<10240x128xf32, #tpu.memory_space<vmem_shared>>) offsets(%dma_start3A_433 : memref<128xi32, #tpu.memory_space<vmem>>) semaphore(%run_scoped3A_430 : memref<!tpu.dma_semaphore, #tpu.memory_space<semaphore_mem>>) {add = true}
      %dma_wait3A_437 = arith.constant 0 : i32
      %dma_wait3A_438 = tpu.memref_slice %arg6[%run_scoped3A_424, %dma_wait3A_437] : memref<8x128xi32, #tpu.memory_space<vmem>> -> memref<1x128xi32, #tpu.memory_space<vmem>>
      %dma_wait3A_439 = tpu.memref_squeeze %dma_wait3A_438 : memref<1x128xi32, #tpu.memory_space<vmem>> -> memref<128xi32, #tpu.memory_space<vmem>>
      %dma_wait3A_440 = arith.constant 0 : i32
      %dma_wait3A_441 = arith.constant 0 : i32
      %dma_wait3A_442 = tpu.memref_slice %arg9[%dma_wait3A_440, %dma_wait3A_441] : memref<10240x128xf32, #tpu.memory_space<vmem_shared>> -> memref<10240x128xf32, #tpu.memory_space<vmem_shared>>
      tpu.wait_indirect_dma semaphore(%run_scoped3A_430 : memref<!tpu.dma_semaphore, #tpu.memory_space<semaphore_mem>>) src(%arg8 : memref<128x128xf32, #tpu.memory_space<vmem>>) dst(%dma_wait3A_442 : memref<10240x128xf32, #tpu.memory_space<vmem_shared>>)
      tpu.yield
    }) : () -> ()
    %barrier3A_425 = arith.constant 0 : index
    tpu.barrier barrier_id(%barrier3A_425)
    %mul3A_426 = arith.constant 640 : i32
    %mul3A_427 = arith.muli %arg1, %mul3A_426 : i32
    %mul3A_428 = arith.constant 640 : i32
    %mul3A_429 = arith.muli %arg1, %mul3A_428 : i32
    "tpu.region"() ({
      %run_scoped3A_430 = tpu.sem_alloc : memref<!tpu.dma_semaphore, #tpu.memory_space<semaphore_mem>>
      %dma_start3A_431 = arith.constant 0 : i32
      %dma_start3A_432 = tpu.memref_slice %arg4[%arg0, %mul3A_429, %dma_start3A_431] : memref<2x10240x128xf32, #tpu.memory_space<hbm>> -> memref<1x640x128xf32, #tpu.memory_space<hbm>>
      %dma_start3A_433 = tpu.memref_squeeze %dma_start3A_432 : memref<1x640x128xf32, #tpu.memory_space<hbm>> -> memref<640x128xf32, #tpu.memory_space<hbm>>
      %dma_start3A_434 = arith.constant 0 : i32
      %dma_start3A_435 = tpu.memref_slice %arg9[%mul3A_427, %dma_start3A_434] : memref<10240x128xf32, #tpu.memory_space<vmem_shared>> -> memref<640x128xf32, #tpu.memory_space<vmem_shared>>
      tpu.enqueue_dma source(%dma_start3A_435 : memref<640x128xf32, #tpu.memory_space<vmem_shared>>) target(%dma_start3A_433 : memref<640x128xf32, #tpu.memory_space<hbm>>) target_semaphore(%run_scoped3A_430 : memref<!tpu.dma_semaphore, #tpu.memory_space<semaphore_mem>>)
      %dma_wait3A_436 = arith.constant 0 : i32
      %dma_wait3A_437 = tpu.memref_slice %arg4[%arg0, %mul3A_429, %dma_wait3A_436] : memref<2x10240x128xf32, #tpu.memory_space<hbm>> -> memref<1x640x128xf32, #tpu.memory_space<hbm>>
      %dma_wait3A_438 = tpu.memref_squeeze %dma_wait3A_437 : memref<1x640x128xf32, #tpu.memory_space<hbm>> -> memref<640x128xf32, #tpu.memory_space<hbm>>
      %dma_wait3A_439 = arith.constant 0 : i32
      %dma_wait3A_440 = tpu.memref_slice %arg9[%mul3A_427, %dma_wait3A_439] : memref<10240x128xf32, #tpu.memory_space<vmem_shared>> -> memref<640x128xf32, #tpu.memory_space<vmem_shared>>
      tpu.wait_dma2 semaphore(%run_scoped3A_430 : memref<!tpu.dma_semaphore, #tpu.memory_space<semaphore_mem>>) src(%dma_wait3A_440 : memref<640x128xf32, #tpu.memory_space<vmem_shared>>) dst(%dma_wait3A_438 : memref<640x128xf32, #tpu.memory_space<hbm>>)
      tpu.yield
    }) : () -> ()
    return
  }
}

module attributes {stable_mosaic.version = 14 : i64} {
  func.func @_deg_mm_body(%arg0: i32, %arg1: memref<1x1x8000xi32, #tpu.memory_space<vmem>>, %arg2: memref<1x1x8000xi32, #tpu.memory_space<vmem>>, %arg3: memref<80x128xf32, #tpu.memory_space<vmem>>, %arg4: memref<1x1x8000xi32, #tpu.memory_space<vmem>>) attributes {dimension_semantics = [#tpu.dimension_semantics<arbitrary>], iteration_bounds = array<i64: 40>, scalar_prefetch = 0 : i64, scratch_operands = 0 : i64, tpu.core_type = #tpu.core_type<tc>, window_params = [{transform_indices = @transform_0, window_bounds = array<i64: 1, 1, 8000>}, {transform_indices = @transform_1, window_bounds = array<i64: 1, 1, 8000>}, {pipeline_mode = #tpu.pipeline_mode<synchronous>, transform_indices = @transform_2, window_bounds = array<i64: 80, 128>}, {transform_indices = @transform_3, window_bounds = array<i64: 1, 1, 8000>}]} {
    %get3A = arith.constant 0 : index
    %get3A_0 = arith.constant 0 : index
    %get3A_1 = arith.constant 0 : index
    %get3A_2 = vector.load %arg1[%get3A, %get3A_0, %get3A_1] : memref<1x1x8000xi32, #tpu.memory_space<vmem>>, vector<1x1x8000xi32>
    %get3A_3 = vector.shape_cast %get3A_2 : vector<1x1x8000xi32> to vector<1x8000xi32>
    %jit3A = arith.constant 128 : i32
    %div3A = vector.broadcast %jit3A : i32 to vector<1x8000xi32>
    %div3A_4 = arith.divsi %get3A_3, %div3A : vector<1x8000xi32>
    %sign3A = arith.constant 0 : i32
    %sign3A_5 = vector.broadcast %sign3A : i32 to vector<1x8000xi32>
    %sign3A_6 = arith.cmpi sgt, %get3A_3, %sign3A_5 : vector<1x8000xi32>
    %sign3A_7 = arith.extui %sign3A_6 : vector<1x8000xi1> to vector<1x8000xi32>
    %sign3A_8 = arith.constant 0 : i32
    %sign3A_9 = vector.broadcast %sign3A_8 : i32 to vector<1x8000xi32>
    %sign3A_10 = arith.cmpi slt, %get3A_3, %sign3A_9 : vector<1x8000xi32>
    %sign3A_11 = arith.extui %sign3A_10 : vector<1x8000xi1> to vector<1x8000xi32>
    %sign3A_12 = arith.subi %sign3A_7, %sign3A_11 : vector<1x8000xi32>
    %sign3A_13 = arith.constant 0 : i32
    %sign3A_14 = arith.cmpi sgt, %jit3A, %sign3A_13 : i32
    %sign3A_15 = arith.extui %sign3A_14 : i1 to i32
    %sign3A_16 = arith.constant 0 : i32
    %sign3A_17 = arith.cmpi slt, %jit3A, %sign3A_16 : i32
    %sign3A_18 = arith.extui %sign3A_17 : i1 to i32
    %sign3A_19 = arith.subi %sign3A_15, %sign3A_18 : i32
    %ne3A = vector.broadcast %sign3A_19 : i32 to vector<1x8000xi32>
    %ne3A_20 = arith.cmpi ne, %sign3A_12, %ne3A : vector<1x8000xi32>
    %rem3A = vector.broadcast %jit3A : i32 to vector<1x8000xi32>
    %rem3A_21 = arith.remsi %get3A_3, %rem3A : vector<1x8000xi32>
    %ne3A_22 = arith.constant 0 : i32
    %ne3A_23 = vector.broadcast %ne3A_22 : i32 to vector<1x8000xi32>
    %ne3A_24 = arith.cmpi ne, %rem3A_21, %ne3A_23 : vector<1x8000xi32>
    %and3A = arith.andi %ne3A_20, %ne3A_24 : vector<1x8000xi1>
    %sub3A = arith.constant 1 : i32
    %sub3A_25 = vector.broadcast %sub3A : i32 to vector<1x8000xi32>
    %sub3A_26 = arith.subi %div3A_4, %sub3A_25 : vector<1x8000xi32>
    %select_n3A = arith.select %and3A, %sub3A_26, %div3A_4 : vector<1x8000xi1>, vector<1x8000xi32>
    %convert_element_type3A = arith.trunci %select_n3A : vector<1x8000xi32> to vector<1x8000xi8>
    %jit3A_27 = arith.constant 128 : i32
    %eq3A = arith.constant 0 : i32
    %eq3A_28 = arith.cmpi eq, %jit3A_27, %eq3A : i32
    %jit3A_29 = arith.constant 1 : i32
    %select_n3A_30 = arith.select %eq3A_28, %jit3A_29, %jit3A_27 : i32
    %rem3A_31 = vector.broadcast %select_n3A_30 : i32 to vector<1x8000xi32>
    %rem3A_32 = arith.remsi %get3A_3, %rem3A_31 : vector<1x8000xi32>
    %ne3A_33 = arith.constant 0 : i32
    %ne3A_34 = vector.broadcast %ne3A_33 : i32 to vector<1x8000xi32>
    %ne3A_35 = arith.cmpi ne, %rem3A_32, %ne3A_34 : vector<1x8000xi32>
    %lt3A = arith.constant 0 : i32
    %lt3A_36 = vector.broadcast %lt3A : i32 to vector<1x8000xi32>
    %lt3A_37 = arith.cmpi slt, %rem3A_32, %lt3A_36 : vector<1x8000xi32>
    %lt3A_38 = arith.constant 0 : i32
    %lt3A_39 = arith.cmpi slt, %select_n3A_30, %lt3A_38 : i32
    %ne3A_40 = vector.broadcast %lt3A_39 : i1 to vector<1x8000xi1>
    %ne3A_41 = vector.broadcast %ne3A_40 : vector<1x8000xi1> to vector<1x8000xi1>
    %ne3A_42 = arith.xori %lt3A_37, %ne3A_41 : vector<1x8000xi1>
    %and3A_43 = arith.andi %ne3A_42, %ne3A_35 : vector<1x8000xi1>
    %add3A = vector.broadcast %select_n3A_30 : i32 to vector<1x8000xi32>
    %add3A_44 = arith.addi %rem3A_32, %add3A : vector<1x8000xi32>
    %select_n3A_45 = arith.select %and3A_43, %add3A_44, %rem3A_32 : vector<1x8000xi1>, vector<1x8000xi32>
    %convert_element_type3A_46 = arith.trunci %select_n3A_45 : vector<1x8000xi32> to vector<1x8000xi8>
    %iota3A = tpu.iota {dimensions = array<i32: 0>} : vector<80x1xi32>
    %convert_element_type3A_47 = arith.trunci %iota3A : vector<80x1xi32> to vector<80x1xi8>
    %broadcast_in_dim3A = vector.shape_cast %convert_element_type3A_47 : vector<80x1xi8> to vector<80x1xi8>
    %broadcast_in_dim3A_48 = vector.broadcast %broadcast_in_dim3A : vector<80x1xi8> to vector<80x8000xi8>
    %iota3A_49 = tpu.iota {dimensions = array<i32: 0>} : vector<128x1xi32>
    %convert_element_type3A_50 = arith.trunci %iota3A_49 : vector<128x1xi32> to vector<128x1xi8>
    %broadcast_in_dim3A_51 = vector.shape_cast %convert_element_type3A_50 : vector<128x1xi8> to vector<128x1xi8>
    %broadcast_in_dim3A_52 = vector.broadcast %broadcast_in_dim3A_51 : vector<128x1xi8> to vector<128x8000xi8>
    %broadcast_in_dim3A_53 = vector.shape_cast %convert_element_type3A : vector<1x8000xi8> to vector<1x8000xi8>
    %broadcast_in_dim3A_54 = vector.broadcast %broadcast_in_dim3A_53 : vector<1x8000xi8> to vector<80x8000xi8>
    %eq3A_55 = arith.cmpi eq, %broadcast_in_dim3A_54, %broadcast_in_dim3A_48 : vector<80x8000xi8>
    %convert_element_type3A_56 = arith.extui %eq3A_55 : vector<80x8000xi1> to vector<80x8000xi8>
    %broadcast_in_dim3A_57 = vector.shape_cast %convert_element_type3A_46 : vector<1x8000xi8> to vector<1x8000xi8>
    %broadcast_in_dim3A_58 = vector.broadcast %broadcast_in_dim3A_57 : vector<1x8000xi8> to vector<128x8000xi8>
    %eq3A_59 = arith.cmpi eq, %broadcast_in_dim3A_58, %broadcast_in_dim3A_52 : vector<128x8000xi8>
    %convert_element_type3A_60 = arith.extui %eq3A_59 : vector<128x8000xi1> to vector<128x8000xi8>
    %dot_general3A = arith.constant dense<0> : vector<80x128xi32>
    %dot_general3A_61 = tpu.matmul %convert_element_type3A_56, %convert_element_type3A_60, %dot_general3A {dimension_numbers = #tpu.dot_dimension_numbers<[1], [1], [0], [0], [0, 0, 1, 0], [], []>, transpose_lhs_hint = false} : vector<80x8000xi8>, vector<128x8000xi8>, vector<80x128xi32> -> vector<80x128xi32>
    %convert_element_type3A_62 = arith.sitofp %dot_general3A_61 : vector<80x128xi32> to vector<80x128xf32>
    %eq3A_63 = arith.constant 0 : i32
    %eq3A_64 = arith.cmpi eq, %arg0, %eq3A_63 : i32
    %convert_element_type3A_65 = arith.extui %eq3A_64 : i1 to i32
    %cond3A = arith.constant 0 : i32
    %cond3A_66 = arith.cmpi ne, %convert_element_type3A_65, %cond3A : i32
    scf.if %cond3A_66 {
      %broadcast_in_dim3A_87 = arith.constant 0.000000e+00 : f32
      %broadcast_in_dim3A_88 = vector.broadcast %broadcast_in_dim3A_87 : f32 to vector<80x128xf32>
      %swap3A_89 = arith.constant 0 : index
      %swap3A_90 = arith.constant 0 : index
      %swap3A_91 = vector.load %arg3[%swap3A_89, %swap3A_90] : memref<80x128xf32, #tpu.memory_space<vmem>>, vector<80x128xf32>
      tpu.vector_store %arg3[%swap3A_89, %swap3A_90], %broadcast_in_dim3A_88 {strides = array<i32>} : memref<80x128xf32, #tpu.memory_space<vmem>>, vector<80x128xf32>,
    } else {
    }
    %get3A_67 = arith.constant 0 : index
    %get3A_68 = arith.constant 0 : index
    %get3A_69 = vector.load %arg3[%get3A_67, %get3A_68] : memref<80x128xf32, #tpu.memory_space<vmem>>, vector<80x128xf32>
    %add3A_70 = arith.addf %get3A_69, %convert_element_type3A_62 : vector<80x128xf32>
    %swap3A = arith.constant 0 : index
    %swap3A_71 = arith.constant 0 : index
    %swap3A_72 = vector.load %arg3[%swap3A, %swap3A_71] : memref<80x128xf32, #tpu.memory_space<vmem>>, vector<80x128xf32>
    tpu.vector_store %arg3[%swap3A, %swap3A_71], %add3A_70 {strides = array<i32>} : memref<80x128xf32, #tpu.memory_space<vmem>>, vector<80x128xf32>,
    %get3A_73 = arith.constant 0 : index
    %get3A_74 = arith.constant 0 : index
    %get3A_75 = arith.constant 0 : index
    %get3A_76 = vector.load %arg2[%get3A_73, %get3A_74, %get3A_75] : memref<1x1x8000xi32, #tpu.memory_space<vmem>>, vector<1x1x8000xi32>
    %shift_left3A = arith.constant 14 : i32
    %shift_left3A_77 = vector.broadcast %shift_left3A : i32 to vector<1x1x8000xi32>
    %shift_left3A_78 = arith.shli %get3A_76, %shift_left3A_77 : vector<1x1x8000xi32>
    %get3A_79 = arith.constant 0 : index
    %get3A_80 = arith.constant 0 : index
    %get3A_81 = arith.constant 0 : index
    %get3A_82 = vector.load %arg1[%get3A_79, %get3A_80, %get3A_81] : memref<1x1x8000xi32, #tpu.memory_space<vmem>>, vector<1x1x8000xi32>
    %or3A = arith.ori %shift_left3A_78, %get3A_82 : vector<1x1x8000xi32>
    %swap3A_83 = arith.constant 0 : index
    %swap3A_84 = arith.constant 0 : index
    %swap3A_85 = arith.constant 0 : index
    %swap3A_86 = vector.load %arg4[%swap3A_83, %swap3A_84, %swap3A_85] : memref<1x1x8000xi32, #tpu.memory_space<vmem>>, vector<1x1x8000xi32>
    tpu.vector_store %arg4[%swap3A_83, %swap3A_84, %swap3A_85], %or3A {strides = array<i32>} : memref<1x1x8000xi32, #tpu.memory_space<vmem>>, vector<1x1x8000xi32>,
    return
  }
  func.func @transform_0(%arg0: i32) -> (i32, i32, i32) {
    %c0_i32 = arith.constant 0 : i32
    %c0_i32_0 = arith.constant 0 : i32
    %c0_i32_1 = arith.constant 0 : i32
    return %arg0, %c0_i32, %c0_i32_0 : i32, i32, i32
  }
  func.func @transform_1(%arg0: i32) -> (i32, i32, i32) {
    %c0_i32 = arith.constant 0 : i32
    %c0_i32_0 = arith.constant 0 : i32
    %c0_i32_1 = arith.constant 0 : i32
    return %arg0, %c0_i32, %c0_i32_0 : i32, i32, i32
  }
  func.func @transform_2(%arg0: i32) -> (i32, i32) {
    %c0_i32 = arith.constant 0 : i32
    %c0_i32_0 = arith.constant 0 : i32
    %c0_i32_1 = arith.constant 0 : i32
    return %c0_i32, %c0_i32_0 : i32, i32
  }
  func.func @transform_3(%arg0: i32) -> (i32, i32, i32) {
    %c0_i32 = arith.constant 0 : i32
    %c0_i32_0 = arith.constant 0 : i32
    %c0_i32_1 = arith.constant 0 : i32
    return %arg0, %c0_i32, %c0_i32_0 : i32, i32, i32
  }
}

module attributes {stable_mosaic.version = 14 : i64} {
  func.func @_mm_body(%arg0: i32, %arg1: memref<1024x128xf32, #tpu.memory_space<vmem>>, %arg2: memref<128x128xf32, #tpu.memory_space<vmem>>, %arg3: memref<1024x1xf32, #tpu.memory_space<vmem>>, %arg4: memref<1024x128xf32, #tpu.memory_space<vmem>>, %arg5: memref<1024x1xf32, #tpu.memory_space<vmem>>) attributes {dimension_semantics = [#tpu.dimension_semantics<arbitrary>], iteration_bounds = array<i64: 10>, scalar_prefetch = 0 : i64, scratch_operands = 0 : i64, tpu.core_type = #tpu.core_type<tc>, window_params = [{transform_indices = @transform_0, window_bounds = array<i64: 1024, 128>}, {pipeline_mode = #tpu.pipeline_mode<synchronous>, transform_indices = @transform_1, window_bounds = array<i64: 128, 128>}, {transform_indices = @transform_2, window_bounds = array<i64: 1024, 1>}, {transform_indices = @transform_3, window_bounds = array<i64: 1024, 128>}, {transform_indices = @transform_4, window_bounds = array<i64: 1024, 1>}]} {
    %get3A = arith.constant 0 : index
    %get3A_0 = arith.constant 0 : index
    %get3A_1 = vector.load %arg3[%get3A, %get3A_0] : memref<1024x1xf32, #tpu.memory_space<vmem>>, vector<1024x1xf32>
    %add3A = arith.constant 1.000000e+00 : f32
    %add3A_2 = vector.broadcast %add3A : f32 to vector<1024x1xf32>
    %add3A_3 = arith.addf %get3A_1, %add3A_2 : vector<1024x1xf32>
    %rsqrt3A = math.rsqrt %add3A_3 : vector<1024x1xf32>
    %swap3A = arith.constant 0 : index
    %swap3A_4 = arith.constant 0 : index
    %swap3A_5 = vector.load %arg5[%swap3A, %swap3A_4] : memref<1024x1xf32, #tpu.memory_space<vmem>>, vector<1024x1xf32>
    tpu.vector_store %arg5[%swap3A, %swap3A_4], %rsqrt3A {strides = array<i32>} : memref<1024x1xf32, #tpu.memory_space<vmem>>, vector<1024x1xf32>,
    %get3A_6 = arith.constant 0 : index
    %get3A_7 = arith.constant 0 : index
    %get3A_8 = vector.load %arg1[%get3A_6, %get3A_7] : memref<1024x128xf32, #tpu.memory_space<vmem>>, vector<1024x128xf32>
    %get3A_9 = arith.constant 0 : index
    %get3A_10 = arith.constant 0 : index
    %get3A_11 = vector.load %arg2[%get3A_9, %get3A_10] : memref<128x128xf32, #tpu.memory_space<vmem>>, vector<128x128xf32>
    %dot_general3A = arith.constant dense<0.000000e+00> : vector<1024x128xf32>
    %dot_general3A_12 = tpu.matmul %get3A_8, %get3A_11, %dot_general3A {dimension_numbers = #tpu.dot_dimension_numbers<[1], [0], [0], [1], [0, 0, 1, 1], [], []>, transpose_lhs_hint = false} : vector<1024x128xf32>, vector<128x128xf32>, vector<1024x128xf32> -> vector<1024x128xf32>
    %mul3A = vector.broadcast %rsqrt3A : vector<1024x1xf32> to vector<1024x128xf32>
    %mul3A_13 = arith.mulf %dot_general3A_12, %mul3A : vector<1024x128xf32>
    %swap3A_14 = arith.constant 0 : index
    %swap3A_15 = arith.constant 0 : index
    %swap3A_16 = vector.load %arg4[%swap3A_14, %swap3A_15] : memref<1024x128xf32, #tpu.memory_space<vmem>>, vector<1024x128xf32>
    tpu.vector_store %arg4[%swap3A_14, %swap3A_15], %mul3A_13 {strides = array<i32>} : memref<1024x128xf32, #tpu.memory_space<vmem>>, vector<1024x128xf32>,
    return
  }
  func.func @transform_0(%arg0: i32) -> (i32, i32) {
    %c0_i32 = arith.constant 0 : i32
    %c0_i32_0 = arith.constant 0 : i32
    return %arg0, %c0_i32 : i32, i32
  }
  func.func @transform_1(%arg0: i32) -> (i32, i32) {
    %c0_i32 = arith.constant 0 : i32
    %c0_i32_0 = arith.constant 0 : i32
    %c0_i32_1 = arith.constant 0 : i32
    return %c0_i32, %c0_i32_0 : i32, i32
  }
  func.func @transform_2(%arg0: i32) -> (i32, i32) {
    %c0_i32 = arith.constant 0 : i32
    %c0_i32_0 = arith.constant 0 : i32
    return %arg0, %c0_i32 : i32, i32
  }
  func.func @transform_3(%arg0: i32) -> (i32, i32) {
    %c0_i32 = arith.constant 0 : i32
    %c0_i32_0 = arith.constant 0 : i32
    return %arg0, %c0_i32 : i32, i32
  }
  func.func @transform_4(%arg0: i32) -> (i32, i32) {
    %c0_i32 = arith.constant 0 : i32
    %c0_i32_0 = arith.constant 0 : i32
    return %arg0, %c0_i32 : i32, i32
  }
}

module attributes {stable_mosaic.version = 14 : i64} {
  func.func @_fin_body(%arg0: i32, %arg1: memref<2x1024x128xf32, #tpu.memory_space<vmem>>, %arg2: memref<1024x128xf32, #tpu.memory_space<vmem>>, %arg3: memref<1024x1xf32, #tpu.memory_space<vmem>>, %arg4: memref<1x128xf32, #tpu.memory_space<vmem>>, %arg5: memref<1024x128xf32, #tpu.memory_space<vmem>>) attributes {dimension_semantics = [#tpu.dimension_semantics<arbitrary>], iteration_bounds = array<i64: 10>, scalar_prefetch = 0 : i64, scratch_operands = 0 : i64, tpu.core_type = #tpu.core_type<tc>, window_params = [{transform_indices = @transform_0, window_bounds = array<i64: 2, 1024, 128>}, {transform_indices = @transform_1, window_bounds = array<i64: 1024, 128>}, {transform_indices = @transform_2, window_bounds = array<i64: 1024, 1>}, {pipeline_mode = #tpu.pipeline_mode<synchronous>, transform_indices = @transform_3, window_bounds = array<i64: 1, 128>}, {transform_indices = @transform_4, window_bounds = array<i64: 1024, 128>}]} {
    %get3A = arith.constant 0 : index
    %get3A_0 = arith.constant 0 : index
    %get3A_1 = arith.constant 0 : index
    %get3A_2 = vector.load %arg1[%get3A, %get3A_0, %get3A_1] : memref<2x1024x128xf32, #tpu.memory_space<vmem>>, vector<1x1024x128xf32>
    %get3A_3 = vector.shape_cast %get3A_2 : vector<1x1024x128xf32> to vector<1024x128xf32>
    %get3A_4 = arith.constant 1 : index
    %get3A_5 = arith.constant 0 : index
    %get3A_6 = arith.constant 0 : index
    %get3A_7 = vector.load %arg1[%get3A_4, %get3A_5, %get3A_6] : memref<2x1024x128xf32, #tpu.memory_space<vmem>>, vector<1x1024x128xf32>
    %get3A_8 = vector.shape_cast %get3A_7 : vector<1x1024x128xf32> to vector<1024x128xf32>
    %add3A = arith.addf %get3A_3, %get3A_8 : vector<1024x128xf32>
    %get3A_9 = arith.constant 0 : index
    %get3A_10 = arith.constant 0 : index
    %get3A_11 = vector.load %arg2[%get3A_9, %get3A_10] : memref<1024x128xf32, #tpu.memory_space<vmem>>, vector<1024x128xf32>
    %add3A_12 = arith.addf %add3A, %get3A_11 : vector<1024x128xf32>
    %get3A_13 = arith.constant 0 : index
    %get3A_14 = arith.constant 0 : index
    %get3A_15 = vector.load %arg3[%get3A_13, %get3A_14] : memref<1024x1xf32, #tpu.memory_space<vmem>>, vector<1024x1xf32>
    %mul3A = vector.broadcast %get3A_15 : vector<1024x1xf32> to vector<1024x128xf32>
    %mul3A_16 = arith.mulf %mul3A, %add3A_12 : vector<1024x128xf32>
    %get3A_17 = arith.constant 0 : index
    %get3A_18 = arith.constant 0 : index
    %get3A_19 = vector.load %arg4[%get3A_17, %get3A_18] : memref<1x128xf32, #tpu.memory_space<vmem>>, vector<1x128xf32>
    %add3A_20 = vector.broadcast %get3A_19 : vector<1x128xf32> to vector<1024x128xf32>
    %add3A_21 = arith.addf %mul3A_16, %add3A_20 : vector<1024x128xf32>
    %swap3A = arith.constant 0 : index
    %swap3A_22 = arith.constant 0 : index
    %swap3A_23 = vector.load %arg5[%swap3A, %swap3A_22] : memref<1024x128xf32, #tpu.memory_space<vmem>>, vector<1024x128xf32>
    tpu.vector_store %arg5[%swap3A, %swap3A_22], %add3A_21 {strides = array<i32>} : memref<1024x128xf32, #tpu.memory_space<vmem>>, vector<1024x128xf32>,
    return
  }
  func.func @transform_0(%arg0: i32) -> (i32, i32, i32) {
    %c0_i32 = arith.constant 0 : i32
    %c0_i32_0 = arith.constant 0 : i32
    %c0_i32_1 = arith.constant 0 : i32
    return %c0_i32, %arg0, %c0_i32_0 : i32, i32, i32
  }
  func.func @transform_1(%arg0: i32) -> (i32, i32) {
    %c0_i32 = arith.constant 0 : i32
    %c0_i32_0 = arith.constant 0 : i32
    return %arg0, %c0_i32 : i32, i32
  }
  func.func @transform_2(%arg0: i32) -> (i32, i32) {
    %c0_i32 = arith.constant 0 : i32
    %c0_i32_0 = arith.constant 0 : i32
    return %arg0, %c0_i32 : i32, i32
  }
  func.func @transform_3(%arg0: i32) -> (i32, i32) {
    %c0_i32 = arith.constant 0 : i32
    %c0_i32_0 = arith.constant 0 : i32
    %c0_i32_1 = arith.constant 0 : i32
    return %c0_i32, %c0_i32_0 : i32, i32
  }
  func.func @transform_4(%arg0: i32) -> (i32, i32) {
    %c0_i32 = arith.constant 0 : i32
    %c0_i32_0 = arith.constant 0 : i32
    return %arg0, %c0_i32 : i32, i32
  }
}

</mosaic_0001>

<sc_bundles>
// kernel: _impl.6.cloned.1.call-start
scs
__scs_entry_jumppad:
0x0: {  	(pc) =	sbr.rel $0x88, $3  }
0x1: {  	(tag) =	ssettag $0x0;
	lr =	simm.s32 $0x1  }
0x2: {  	[smem:$0x3F9D] =	sst lr;
	_ =	strace $0xD0000000  }
0x3: {  	_ = 	snop  }
0x4: {  	_ = 	snop  }
0x5: {  	_ = 	snop  }
0x6: {  	_ = 	snop  }
0x7: {  	_ = 	snop  }
__scs_overlays_trampoline_lowered:
0x8: {  	[smem:$0x3FAC] =	sst s0  }
0x9: {  	[smem:$0x3FAD] =	sst s1  }
0xa: {  	[smem:$0x3FAE] =	sst s2  }
0xb: {  	[smem:$0x3FAF] =	sst s3  }
0xc: {  	[smem:$0x3FB0] =	sst s4  }
0xd: {  	[smem:$0x3FB1] =	sst s5  }
0xe: {  	[smem:$0x3FB2] =	sst s6  }
0xf: {  	[smem:$0x3FB3] =	sst s7  }
0x10: {  	[smem:$0x3FB4] =	sst s8  }
0x11: {  	[smem:$0x3FB5] =	sst s9;
	s0 =	simm.s32 @!p0 $0x0  }
0x12: {  	s1 =	sld [smem:$0x3F9B];
	s0 =	simm.s32 @p0 $0x1  }
0x13: {  	[smem:$0x3FB6] =	sst s0;
	s0 =	simm.s32 @!p1 $0x0  }
0x14: {  	s2 =	sld [smem:$0x3F9A];
	s0 =	simm.s32 @p1 $0x1  }
0x15: {  	[smem:$0x3FB7] =	sst s0;
	s0 =	simm.s32 @!p2 $0x0  }
0x16: {  	s3 =	sld [smem:$0x3FDB];
	s0 =	simm.s32 @p2 $0x1  }
0x17: {  	s4 =	simm.s32 $0x1BF5;
	[smem:$0x3FB9] =	sst s0  }
0x18: {  	s0 =	sld [smem:$0x3F9C];
	_ =	swait.ge [sflag:s4], $0x0  }
0x19: {  	s7 =	sld [smem:$0x3F9D]  }
0x1a: {  	s8 =	sadd.s32 $0xFFFFE003, lr  }
0x1b: {  	s9 =	sadd.s32 $0xFFFFFEF7, lr;
	s5 =	simm.s32 $0xFFFFFFFF;
	p2 =	slt.u32 s8, $0xFFFFF086  }
0x1c: {  	p1 =	slt.u32 s9, $0xF7A;
	s5 =	simm.s32 @!p2 $0x0  }
0x1d: {  	s5 =	simm.s32 @p1 $0x1;
	p0 =	seq.s32 s7, s2  }
0x1e: {  	s7 =	smul.u32 @!p0 $0xF7A, s2;
	p2 =	seq.s32 @!p0 s5, $0x0  }
0x1f: {  	s9 =	smul.u32 $0xF7A, s1;
	s8 =	simm.s32 @!p0 $0x1BF5;
	p2 =	por !p2, p0  }
0x20: {  	[sflag:s8] =	ssyncset.s32 @!p0 $0xFFFFF086;
	s6 =	sadd.s32 @!p0 s3, s7;
	s7 =	simm.s32 @!p0 $0x108  }
0x21: {  	s3 =	sadd.s32 s3, s9;
	s6 =	sadd.s32 @!p0 $0x88, s6;
	s7 =	simm.s32 @p2 $0x1082  }
0x22: {  	[simem:s7], [sflag:s8] =	dma.local @!p0 [hbm:s6], $0xF7A  }
0x23: {  	s9 =	sor.u32 $0xD0000000, s2;
	s6 =	simm.s32 $0x108;
	_ =	swait.ge @!p0 [sflag:s8], $0x0  }
0x24: {  	s3 =	sadd.s32 $0x88, s3;
	s6 =	simm.s32 @!p1 $0x1082;
	[sflag:s4] =	ssyncset.s32 $0xFFFFF086  }
0x25: {  	[simem:s6], [sflag:s4] =	dma.local [hbm:s3], $0xF7A  }
0x26: {  	[smem:$0x3F9D] =	sst s1;
	(tag) =	ssettag s2;
	_ =	strace s9  }
0x27: {  	s1 =	sld [smem:$0x3FAD]  }
0x28: {  	s2 =	sld [smem:$0x3FAE]  }
0x29: {  	s4 =	sld [smem:$0x3FB0]  }
0x2a: {  	p0 =	seq.s32 s5, $0x0;
	s5 =	sld [smem:$0x3FB1]  }
0x2b: {  	s6 =	sld [smem:$0x3FB2]  }
0x2c: {  	s7 =	sld [smem:$0x3FB3]  }
0x2d: {  	s3 =	simm.s32 $0x108;
	s8 =	sld [smem:$0x3FB4]  }
0x2e: {  	s3 =	simm.s32 @!p0 $0x1082;
	s9 =	sld [smem:$0x3FB5]  }
0x2f: {  	lr =	sadd.s32 s0, s3;
	s0 =	sld [smem:$0x3FAC]  }
0x30: {  	s3 =	sld [smem:$0x3FAF]  }
0x31: {  	[smem:$0x3FB8] =	sst s10  }
0x32: {  	s10 =	sld [smem:$0x3FB6];
	_ =	sdelay $0x3  }
0x33: {  	p0 =	seq.s32 s10, $0x1;
	s10 =	sld [smem:$0x3FB8];
	_ =	sdelay $0x3  }
0x34: {  	[smem:$0x3FB8] =	sst s10  }
0x35: {  	s10 =	sld [smem:$0x3FB7];
	_ =	sdelay $0x3  }
0x36: {  	p1 =	seq.s32 s10, $0x1;
	s10 =	sld [smem:$0x3FB8];
	_ =	sdelay $0x3  }
0x37: {  	[smem:$0x3FB8] =	sst s10  }
0x38: {  	s10 =	sld [smem:$0x3FB9]  }
0x39: {  	_ = 	snop;
	(pc) =	sbr.ind lr, $3  }
0x3a: {  	_ = 	snop  }
0x3b: {  	_ = 	snop  }
0x3c: {  	p2 =	seq.s32 s10, $0x1;
	s10 =	sld [smem:$0x3FB8]  }
0x3d: {  	_ =	shalt  }
0x3e: {  	_ =	shalt  }
0x3f: {  	_ =	shalt  }
0x40: {  	_ =	shalt  }
0x41: {  	_ =	shalt  }
0x42: {  	_ =	shalt  }
0x43: {  	_ =	shalt  }
0x44: {  	_ =	shalt  }
0x45: {  	_ =	shalt  }
0x46: {  	_ =	shalt  }
0x47: {  	_ =	shalt  }
0x48: {  	_ =	shalt  }
0x49: {  	_ =	shalt  }
0x4a: {  	_ =	shalt  }
0x4b: {  	_ =	shalt  }
0x4c: {  	_ =	shalt  }
0x4d: {  	_ =	shalt  }
0x4e: {  	_ =	shalt  }
0x4f: {  	_ =	shalt  }
0x50: {  	_ =	shalt  }
0x51: {  	_ =	shalt  }
0x52: {  	_ =	shalt  }
0x53: {  	_ =	shalt  }
0x54: {  	_ =	shalt  }
0x55: {  	_ =	shalt  }
0x56: {  	_ =	shalt  }
0x57: {  	_ =	shalt  }
0x58: {  	_ =	shalt  }
0x59: {  	_ =	shalt  }
0x5a: {  	_ =	shalt  }
0x5b: {  	_ =	shalt  }
0x5c: {  	_ =	shalt  }
0x5d: {  	_ =	shalt  }
0x5e: {  	_ =	shalt  }
0x5f: {  	_ =	shalt  }
0x60: {  	_ =	shalt  }
0x61: {  	_ =	shalt  }
0x62: {  	_ =	shalt  }
0x63: {  	_ =	shalt  }
0x64: {  	_ =	shalt  }
0x65: {  	_ =	shalt  }
0x66: {  	_ =	shalt  }
0x67: {  	_ =	shalt  }
0x68: {  	_ =	shalt  }
0x69: {  	_ =	shalt  }
0x6a: {  	_ =	shalt  }
0x6b: {  	_ =	shalt  }
0x6c: {  	_ =	shalt  }
0x6d: {  	_ =	shalt  }
0x6e: {  	_ =	shalt  }
0x6f: {  	_ =	shalt  }
0x70: {  	_ =	shalt  }
0x71: {  	_ =	shalt  }
0x72: {  	_ =	shalt  }
0x73: {  	_ =	shalt  }
0x74: {  	_ =	shalt  }
0x75: {  	_ =	shalt  }
0x76: {  	_ =	shalt  }
0x77: {  	_ =	shalt  }
0x78: {  	_ =	shalt  }
0x79: {  	_ =	shalt  }
0x7a: {  	_ =	shalt  }
0x7b: {  	_ =	shalt  }
0x7c: {  	_ =	shalt  }
0x7d: {  	_ =	shalt  }
0x7e: {  	_ =	shalt  }
0x7f: {  	_ =	shalt  }
0x80: {  	_ =	shalt  }
0x81: {  	_ =	shalt  }
0x82: {  	_ =	shalt  }
0x83: {  	_ =	shalt  }
0x84: {  	_ =	shalt  }
0x85: {  	_ =	shalt  }
0x86: {  	_ =	shalt  }
0x87: {  	_ =	shalt  }
.Lfunc_end0:
.L_simem_size_0:
called_computation_lowered:
.L_overlay_start_0:
0x88: {  	s2 =	sld [smem:$0x3FD9]  }
0x89: {  	s3 =	sld [smem:$0x3FFE];
	_ =	sdelay $0x1  }
0x8a: {  	s1 =	srdreg.scid  }
0x8b: {  	s0 =	sand.u32 $0x1, s1  }
0x8c: {  	s17 =	sshll.u32 s0, $0xA;
	s2 =	sadd.s32 s3, s2  }
0x8d: {  	s2 =	sadd.s32 s2, s17  }
0x8e: {  	[smem:$0x3FC4] =	sst s2  }
0x8f: {  	_ = 	snop  }
0x90: {  	s2 =	sld [smem:$0x3FD0];
	(tm) =	ssettm $0x1  }
0x91: {  	s18 =	sld [smem:$0x3FFB];
	_ =	sdelay $0x3  }
0x92: {  	_ =	strace s18  }
0x93: {  	s3 =	sld [smem:$0x3FFC];
	_ =	sdelay $0x3  }
0x94: {  	_ =	strace s3  }
0x95: {  	s3 =	sld [smem:$0x3FFD];
	_ =	sdelay $0x3  }
0x96: {  	_ =	strace s3  }
0x97: {  	_ =	strace $0x8FFFFFFF  }
0x98: {  	s19 =	sld [smem:$0x3FDB];
	_ =	sdelay $0x1  }
0x99: {  	s4 =	simm.s32 $_scs_section_size  }
0x9a: {  	s5 =	simm.s32 $_size__tile_overlayer_lowered;
	s6 =	simm.s32 $_tile_overlayer_lowered  }
0x9b: {  	s22 =	simm.s32 $0x1BFF;
	s21 =	sshll.u32 s6, $0x1;
	s3 =	sadd.s32 s4, s19  }
0x9c: {  	s7 =	simm.s32 $0x0;
	s20 =	sshll.u32 s5, $0x1;
	s5 =	sadd.s32 s21, s3  }
0x9d: {  	[timem:s7], [sflag:s22] =	dma.local [hbm:s5], s20  }
0x9e: {  	_ =	swait.ge [sflag:s22], s20  }
0x9f: {  	s4 =	ssub.s32 $0x0, s20;
	[sflag:s22] =	ssyncset.done $0x0  }
0xa0: {  	[sflag:s22] =	ssyncadd.s32 s4;
	_ =	sdelay $0x1  }
0xa1: {  	s23 =	simm.s32 $0x1B8B  }
0xa2: {  	_ =	swait.ge [sflag:s23], $0x1  }
0xa3: {  	[sflag:s23] =	ssyncset.done $0x0  }
0xa4: {  	s25 =	simm.s32 $0x1B8E;
	s24 =	sld [smem:$0x3FFE];
	[sflag:s23] =	ssyncadd.s32 $0xFFFFFFFF  }
0xa5: {  	s26 =	simm.s32 $execute0_lowered;
	[smem:$0x3FD2] =	sst s25  }
0xa6: {  	s5 =	sshll.u32 s26, $0x1;
	_ =	strace $0x80000046;
	[dreg:$0x1] =	wrdreg $0xFFFFFFFF  }
0xa7: {  	s28 =	simm.s32 $_size_execute0_lowered;
	s3 =	sadd.s32 s3, s5;
	[dreg:$0x0] =	wrdreg $0x0  }
0xa8: {  	s5 =	sshll.u32 s28, $0x1;
	[dreg:$0x2] =	wrdreg s3  }
0xa9: {  	[dreg:$0x3] =	wrdreg s5  }
0xaa: {  	[dreg:$0x4] =	wrdreg $0xC0  }
0xab: {  	_ =	task [dreg:s7], $0x5FFFF  }
0xac: {  	[dreg:$0x1] =	wrdreg $0xFFFFFFFF  }
0xad: {  	[dreg:$0x0] =	wrdreg $0x60  }
0xae: {  	[dreg:$0x2] =	wrdreg s24  }
0xaf: {  	[dreg:$0x3] =	wrdreg s2  }
0xb0: {  	[dreg:$0x4] =	wrdreg $0xAC000  }
0xb1: {  	[dreg:$0x5] =	wrdreg $0x9  }
0xb2: {  	_ =	task.clear_ibuf [dreg:s7], $0x6FFFF;
	_ =	strace $0x90000046  }
0xb3: {  	s29 =	simm.s32 $0x9;
	_ =	strace $0x80000048  }
0xb4: {  	_ =	swait.ge [sflag:s29], $0x1  }
0xb5: {  	[sflag:s29] =	ssyncadd.s32 $0xFFFFFFFF  }
0xb6: {  	_ =	strace $0x90000048  }
0xb7: {  	_ =	sfence  }
0xb8: {  	s30 =	sld [smem:$0x0];
	_ =	sdelay $0x2  }
0xb9: {  	s31 =	sshll.u32 s1, $0xD;
	s1 =	sshrl.u32 s1, $0x2  }
0xba: {  	s3 =	sand.u32 $0x4000, s31;
	s1 =	sadd.s32 s1, s30  }
0xbb: {  	s0 =	sor.u32 s3, s0;
	s1 =	sshll.u32 s1, $0x11  }
0xbc: {  	s0 =	sor.u32 s1, s0  }
0xbd: {  	s0 =	sadd.s32 $0x8F2B, s0  }
0xbe: {  	[sflag:s0] =	ssyncadd.remote.s32 $0x1  }
0xbf: {  	_ =	sfence.sel $0xFFFF  }
0xc0: {  	[dreg:$0x0] =	wrdreg $0xFFFFFFFF;
	(pc) =	sbr.abs _section_cstart, $3  }
0xc1: {  	[dreg:$0x1] =	wrdreg $0xFFFFFFFF  }
0xc2: {  	_ =	task.clear_ibuf [dreg:s7], $0x2FFFF;
	_ =	strace $0x9FFFFFFF  }
0xc3: {  	(tm) =	ssettm $0x7FFFFFFF  }
tec
execute0_lowered:
.L_overlay_start_1:
0x0: {  	(tag) =	ssettag $0x1  }
0x1: {  	s5 =	rddreg [dreg:$0x0]  }
0x2: {  	s10 =	rddreg [dreg:$0x1]  }
0x3: {  	s0 =	srdreg.scid;
	s2 =	rddreg [dreg:$0x2]  }
0x4: {  	s1 =	stileid.u32;
	s3 =	simm.s32 $0x0;
	s14 =	simm.s32 $0x3  }
0x5: {  	s15 =	simm.s32 $0x80;
	s16 =	simm.s32 $0x2800;
	s17 =	simm.s32 $0x2900  }
0x6: {  	s18 =	simm.s32 $0x6C00;
	s19 =	simm.s32 $0x1;
	s20 =	simm.s32 $0x2880  }
0x7: {  	s21 =	simm.s32 $0x2;
	s22 =	simm.s32 $0x2980;
	s23 =	simm.s32 $0x0  }
0x8: {  	s6 =	sand.u32 $0x1, s0;
	s0 =	rddreg [dreg:$0x3];
	s7 =	smul.u32 $0x14000, s1  }
0x9: {  	[smem:$0x7FF] =	sst s3;
	s8 =	smul.u32 $0x50000, s1;
	s30 =	sshll.u32 s1, $0x1  }
0xa: {  	s4 =	smul.u32 $0x140000, s6;
	s29 =	ssub.s32 $0x2, s6;
	s6 =	sor.u32 s6, s30  }
0xb: {  	_ =	strace $0x80000047;
	s9 =	sshrl.u32 s29, $0x1;
	s13 =	smul.u32 $0x500, s6  }
0xc: {  	s31 =	sshrl.u32 s8, $0x2;
	s7 =	sadd.s32 s7, s4;
	s4 =	sadd.s32 $0x1000, s5  }
0xd: {  	s12 =	ssub.s32 s29, s9;
	s7 =	sshrl.u32 s7, $0x3;
	s10 =	sadd.s32 s10, s13  }
0xe: {  	s12 =	smax.u32 s12, $0x1;
	s11 =	sadd.s32 s7, s5;
	s5 =	sadd.s32 s31, s2  }
0xf: {  	s13 =	simm.s32 $0x2C00;
	s6 =	sadd.s32 $0x4000, s5;
	s7 =	sadd.s32 $0x8000, s5  }
0x10: {  	v0 =	vimm.f32 $0.0e+00;
	s8 =	sadd.s32 $0xC000, s5;
	s9 =	sadd.s32 $0x10000, s5;
	s11 =	sadd.s32 $0x29000, s11  }
.LBB2_1:
0x11: {  	s24 =	sand.u32 $0xFE00, s3  }
0x12: {  	s25 =	sand.u32 $0x70, s3;
	s26 =	sshrl.u32 s24, $0x2  }
0x13: {  	s24 =	simm.s32 $0x40;
	s26 =	sor.u32 s25, s26;
	s25 =	simm.s32 $0x0  }
.LBB2_2:
0x14: {  	p0 =	sne.s32 s24, $0xFFC0  }
0x15: {  	[tilespmem:s26+$0x2C00] =	vst v0;
	s25 =	sadd.s32 $0x10, s25;
	s26 =	smov.u32 s24;
	s24 =	sadd.s32 $0x40, s24  }
.Ltmp0:
0x16: {  	(pc) =	sbr.rel @p0 .LBB2_2-.Ltmp0, $4  }
0x17: {  	_ = 	snop  }
0x18: {  	s26 =	sand.u32 $0xFE00, s26  }
0x19: {  	s28 =	sand.u32 $0x70, s25;
	s26 =	sshrl.u32 s26, $0x2  }
0x1a: {  	s26 =	sor.u32 s28, s26  }
0x1b: {  	[tilespmem:s26+$0x2C00] =	vst v0  }
0x1c: {  	[spmem:s5] =	stream.linear.scatter [tilespmem:s13], [sflag:$0x3], $0x4000, $0x38;
	[tilespmem:$0x1EC00] =	vst v63  }
0x1d: {  	_ =	swait.ge [sflag:s14], $0x4000  }
0x1e: {  	[sflag:s14] =	ssyncset.done $0x0  }
0x1f: {  	[sflag:s14] =	ssyncadd.s32 $0xFFFFC000  }
0x20: {  	[spmem:s6] =	stream.linear.scatter [tilespmem:s13], [sflag:$0x3], $0x4000, $0x38;
	[tilespmem:$0x1EC00] =	vst v63  }
0x21: {  	_ =	swait.ge [sflag:s14], $0x4000  }
0x22: {  	[sflag:s14] =	ssyncset.done $0x0  }
0x23: {  	[sflag:s14] =	ssyncadd.s32 $0xFFFFC000  }
0x24: {  	[spmem:s7] =	stream.linear.scatter [tilespmem:s13], [sflag:$0x3], $0x4000, $0x38;
	[tilespmem:$0x1EC00] =	vst v63  }
0x25: {  	_ =	swait.ge [sflag:s14], $0x4000  }
0x26: {  	[sflag:s14] =	ssyncset.done $0x0  }
0x27: {  	[sflag:s14] =	ssyncadd.s32 $0xFFFFC000  }
0x28: {  	[spmem:s8] =	stream.linear.scatter [tilespmem:s13], [sflag:$0x3], $0x4000, $0x38;
	[tilespmem:$0x1EC00] =	vst v63  }
0x29: {  	_ =	swait.ge [sflag:s14], $0x4000  }
0x2a: {  	[sflag:s14] =	ssyncset.done $0x0  }
0x2b: {  	[sflag:s14] =	ssyncadd.s32 $0xFFFFC000  }
0x2c: {  	[spmem:s9] =	stream.linear.scatter [tilespmem:s13], [sflag:$0x3], $0x4000, $0x38;
	[tilespmem:$0x1EC00] =	vst v63  }
0x2d: {  	_ =	swait.ge [sflag:s14], $0x4000  }
0x2e: {  	[sflag:s14] =	ssyncset.done $0x0  }
0x2f: {  	[sflag:s14] =	ssyncadd.s32 $0xFFFFC000  }
0x30: {  	s24 =	simm.s32 $0x0;
	[bflag:$0x0] =	sbarrier.arrive $0xFFFF  }
0x31: {  	[tilespmem:s24], [sflag:$0x3] =	stream.linear.gather [hbm4b:s10+s24], $0x2800, $0x38;
	[tilespmem:$0x1EC00] =	vst v63  }
0x32: {  	_ =	swait.ge [sflag:s14], $0x2800  }
0x33: {  	[sflag:s14] =	ssyncset.done $0x0  }
0x34: {  	[sflag:s14] =	ssyncadd.s32 $0xFFFFD800  }
0x35: {  	v1 =	vld [tilespmem:$0x0];
	_ =	sdelay $0x1  }
0x36: {  	v2 =	vld [tilespmem:$0x10];
	_ =	sdelay $0x1  }
0x37: {  	v3 =	vld [tilespmem:$0x20]  }
0x38: {  	v4 =	vshrl.u32 v1, $0xE  }
0x39: {  	v62 =	vld [tilespmem:$0x30];
	v1 =	vand.u32 $0x3FFF, v1;
	[tilespmem:$0x2800] =	vst v4  }
0x3a: {  	[tilespmem:$0x2880] =	vst v1;
	v1 =	vshrl.u32 v2, $0xE  }
0x3b: {  	[tilespmem:$0x2810] =	vst v1;
	v1 =	vand.u32 $0x3FFF, v2;
	v2 =	vld [tilespmem:$0x40]  }
0x3c: {  	[tilespmem:$0x2890] =	vst v1;
	v1 =	vshrl.u32 v3, $0xE  }
0x3d: {  	[tilespmem:$0x2820] =	vst v1;
	v1 =	vand.u32 $0x3FFF, v3;
	v3 =	vld [tilespmem:$0x50]  }
0x3e: {  	[tilespmem:$0x28A0] =	vst v1;
	v1 =	vshrl.u32 v62, $0xE  }
0x3f: {  	v63 =	vld [tilespmem:$0x60];
	[tilespmem:$0x2830] =	vst v1;
	v1 =	vand.u32 $0x3FFF, v62  }
0x40: {  	[tilespmem:$0x28B0] =	vst v1;
	v1 =	vshrl.u32 v2, $0xE  }
0x41: {  	[tilespmem:$0x2840] =	vst v1;
	v1 =	vand.u32 $0x3FFF, v2;
	v2 =	vld [tilespmem:$0x70]  }
0x42: {  	[tilespmem:$0x28C0] =	vst v1;
	v1 =	vshrl.u32 v3, $0xE  }
0x43: {  	[tilespmem:$0x2850] =	vst v1;
	v1 =	vand.u32 $0x3FFF, v3  }
0x44: {  	[tilespmem:$0x28D0] =	vst v1;
	v1 =	vshrl.u32 v63, $0xE  }
0x45: {  	[tilespmem:$0x2860] =	vst v1;
	v1 =	vand.u32 $0x3FFF, v63  }
0x46: {  	[tilespmem:$0x28E0] =	vst v1;
	v1 =	vshrl.u32 v2, $0xE  }
0x47: {  	[tilespmem:$0x2870] =	vst v1;
	v1 =	vand.u32 $0x3FFF, v2  }
0x48: {  	s24 =	simm.s32 $0x0;
	[tilespmem:$0x28F0] =	vst v1  }
0x49: {  	[tilespmem:s13], [sflag:$0x1] =	stream.indirect.gather [hbm4b:s4+s15], $0x80, s16, s15, $0xb8;
	[tilespmem:$0x1EC00] =	vst v63  }
0x4a: {  	v1 =	vld [tilespmem:s24+$0x80];
	_ =	sdelay $0x4  }
0x4b: {  	v2 =	vshrl.u32 v1, $0xE  }
0x4c: {  	v1 =	vand.u32 $0x3FFF, v1;
	[tilespmem:$0x2900] =	vst v2  }
0x4d: {  	[tilespmem:$0x2980] =	vst v1  }
0x4e: {  	v1 =	vld [tilespmem:s24+$0x90];
	_ =	sdelay $0x4  }
0x4f: {  	v2 =	vshrl.u32 v1, $0xE  }
0x50: {  	v1 =	vand.u32 $0x3FFF, v1;
	[tilespmem:$0x2910] =	vst v2  }
0x51: {  	[tilespmem:$0x2990] =	vst v1  }
0x52: {  	v1 =	vld [tilespmem:s24+$0xA0];
	_ =	sdelay $0x4  }
0x53: {  	v2 =	vshrl.u32 v1, $0xE  }
0x54: {  	v1 =	vand.u32 $0x3FFF, v1;
	[tilespmem:$0x2920] =	vst v2  }
0x55: {  	[tilespmem:$0x29A0] =	vst v1  }
0x56: {  	v1 =	vld [tilespmem:s24+$0xB0];
	_ =	sdelay $0x4  }
0x57: {  	v2 =	vshrl.u32 v1, $0xE  }
0x58: {  	v1 =	vand.u32 $0x3FFF, v1;
	[tilespmem:$0x2930] =	vst v2  }
0x59: {  	[tilespmem:$0x29B0] =	vst v1  }
0x5a: {  	v1 =	vld [tilespmem:s24+$0xC0];
	_ =	sdelay $0x4  }
0x5b: {  	v2 =	vshrl.u32 v1, $0xE  }
0x5c: {  	v1 =	vand.u32 $0x3FFF, v1;
	[tilespmem:$0x2940] =	vst v2  }
0x5d: {  	[tilespmem:$0x29C0] =	vst v1  }
0x5e: {  	v1 =	vld [tilespmem:s24+$0xD0];
	_ =	sdelay $0x4  }
0x5f: {  	v2 =	vshrl.u32 v1, $0xE  }
0x60: {  	v1 =	vand.u32 $0x3FFF, v1;
	[tilespmem:$0x2950] =	vst v2  }
0x61: {  	[tilespmem:$0x29D0] =	vst v1  }
0x62: {  	v1 =	vld [tilespmem:s24+$0xE0];
	_ =	sdelay $0x4  }
0x63: {  	v2 =	vshrl.u32 v1, $0xE  }
0x64: {  	v1 =	vand.u32 $0x3FFF, v1;
	[tilespmem:$0x2960] =	vst v2  }
0x65: {  	[tilespmem:$0x29E0] =	vst v1  }
0x66: {  	v1 =	vld [tilespmem:s24+$0xF0];
	_ =	sdelay $0x4  }
0x67: {  	v2 =	vshrl.u32 v1, $0xE  }
0x68: {  	v1 =	vand.u32 $0x3FFF, v1;
	[tilespmem:$0x2970] =	vst v2  }
0x69: {  	[tilespmem:$0x29F0] =	vst v1  }
0x6a: {  	[tilespmem:s18], [sflag:$0x2] =	stream.indirect.gather [hbm4b:s4+s15], $0x80, s17, s15, $0xb8;
	[tilespmem:$0x1EC00] =	vst v63  }
0x6b: {  	_ =	swait.ge [sflag:s19], $0x4000  }
0x6c: {  	[sflag:s19] =	ssyncset.done $0x0  }
0x6d: {  	[sflag:s19] =	ssyncadd.s32 $0xFFFFC000  }
0x6e: {  	[spmem:s2] =	stream.indirect.scatter.add.f32 [tilespmem:s13], [sflag:$0x3], $0x80, s20, s15, $0xb8;
	[tilespmem:$0x1EC00] =	vst v63  }
0x6f: {  	_ =	swait.ge [sflag:s14], $0x4000  }
0x70: {  	[sflag:s14] =	ssyncset.done $0x0  }
0x71: {  	[sflag:s14] =	ssyncadd.s32 $0xFFFFC000  }
0x72: {  	v1 =	vld [tilespmem:s24+$0x100];
	_ =	sdelay $0x4  }
0x73: {  	v2 =	vshrl.u32 v1, $0xE  }
0x74: {  	v1 =	vand.u32 $0x3FFF, v1;
	[tilespmem:$0x2800] =	vst v2  }
0x75: {  	[tilespmem:$0x2880] =	vst v1  }
0x76: {  	v1 =	vld [tilespmem:s24+$0x110];
	_ =	sdelay $0x4  }
0x77: {  	v2 =	vshrl.u32 v1, $0xE  }
0x78: {  	v1 =	vand.u32 $0x3FFF, v1;
	[tilespmem:$0x2810] =	vst v2  }
0x79: {  	[tilespmem:$0x2890] =	vst v1  }
0x7a: {  	v1 =	vld [tilespmem:s24+$0x120];
	_ =	sdelay $0x4  }
0x7b: {  	v2 =	vshrl.u32 v1, $0xE  }
0x7c: {  	v1 =	vand.u32 $0x3FFF, v1;
	[tilespmem:$0x2820] =	vst v2  }
0x7d: {  	[tilespmem:$0x28A0] =	vst v1  }
0x7e: {  	v1 =	vld [tilespmem:s24+$0x130];
	_ =	sdelay $0x4  }
0x7f: {  	v2 =	vshrl.u32 v1, $0xE  }
0x80: {  	v1 =	vand.u32 $0x3FFF, v1;
	[tilespmem:$0x2830] =	vst v2  }
0x81: {  	[tilespmem:$0x28B0] =	vst v1  }
0x82: {  	v1 =	vld [tilespmem:s24+$0x140];
	_ =	sdelay $0x4  }
0x83: {  	v2 =	vshrl.u32 v1, $0xE  }
0x84: {  	v1 =	vand.u32 $0x3FFF, v1;
	[tilespmem:$0x2840] =	vst v2  }
0x85: {  	[tilespmem:$0x28C0] =	vst v1  }
0x86: {  	v1 =	vld [tilespmem:s24+$0x150];
	_ =	sdelay $0x4  }
0x87: {  	v2 =	vshrl.u32 v1, $0xE  }
0x88: {  	v1 =	vand.u32 $0x3FFF, v1;
	[tilespmem:$0x2850] =	vst v2  }
0x89: {  	[tilespmem:$0x28D0] =	vst v1  }
0x8a: {  	v1 =	vld [tilespmem:s24+$0x160];
	_ =	sdelay $0x4  }
0x8b: {  	v2 =	vshrl.u32 v1, $0xE  }
0x8c: {  	s25 =	simm.s32 $0x400;
	v1 =	vand.u32 $0x3FFF, v1;
	[tilespmem:$0x2860] =	vst v2  }
.LBB2_4:
0x8d: {  	p0 =	sne.s32 s25, $0x9800;
	[tilespmem:$0x28E0] =	vst v1;
	s26 =	smov.u32 s25;
	s25 =	sadd.s32 $0x400, s25  }
0x8e: {  	v1 =	vld [tilespmem:s24+$0x170];
	_ =	sdelay $0x4  }
0x8f: {  	v2 =	vshrl.u32 v1, $0xE;
	v1 =	vand.u32 $0x3FFF, v1  }
0x90: {  	[tilespmem:$0x2870] =	vst v2  }
0x91: {  	[tilespmem:$0x28F0] =	vst v1  }
0x92: {  	[tilespmem:s13], [sflag:$0x1] =	stream.indirect.gather [hbm4b:s4+s15], $0x80, s16, s15, $0xb8;
	[tilespmem:$0x1EC00] =	vst v63  }
0x93: {  	_ =	swait.ge [sflag:s21], $0x4000  }
0x94: {  	[sflag:s21] =	ssyncset.done $0x0  }
0x95: {  	[sflag:s21] =	ssyncadd.s32 $0xFFFFC000  }
0x96: {  	[spmem:s2] =	stream.indirect.scatter.add.f32 [tilespmem:s18], [sflag:$0x3], $0x80, s22, s15, $0xb8;
	[tilespmem:$0x1EC00] =	vst v63  }
0x97: {  	_ =	swait.ge [sflag:s14], $0x4000  }
0x98: {  	[sflag:s14] =	ssyncset.done $0x0  }
0x99: {  	s24 =	sshra.s32 s26, $0x2;
	[sflag:s14] =	ssyncadd.s32 $0xFFFFC000  }
0x9a: {  	v1 =	vld [tilespmem:s24+$0x80];
	_ =	sdelay $0x4  }
0x9b: {  	v2 =	vshrl.u32 v1, $0xE;
	v1 =	vand.u32 $0x3FFF, v1  }
0x9c: {  	[tilespmem:$0x2900] =	vst v2  }
0x9d: {  	[tilespmem:$0x2980] =	vst v1  }
0x9e: {  	v1 =	vld [tilespmem:s24+$0x90];
	_ =	sdelay $0x4  }
0x9f: {  	v2 =	vshrl.u32 v1, $0xE;
	v1 =	vand.u32 $0x3FFF, v1  }
0xa0: {  	[tilespmem:$0x2910] =	vst v2  }
0xa1: {  	[tilespmem:$0x2990] =	vst v1  }
0xa2: {  	v1 =	vld [tilespmem:s24+$0xA0];
	_ =	sdelay $0x4  }
0xa3: {  	v2 =	vshrl.u32 v1, $0xE;
	v1 =	vand.u32 $0x3FFF, v1  }
0xa4: {  	[tilespmem:$0x2920] =	vst v2  }
0xa5: {  	[tilespmem:$0x29A0] =	vst v1  }
0xa6: {  	v1 =	vld [tilespmem:s24+$0xB0];
	_ =	sdelay $0x4  }
0xa7: {  	v2 =	vshrl.u32 v1, $0xE;
	v1 =	vand.u32 $0x3FFF, v1  }
0xa8: {  	[tilespmem:$0x2930] =	vst v2  }
0xa9: {  	[tilespmem:$0x29B0] =	vst v1  }
0xaa: {  	v1 =	vld [tilespmem:s24+$0xC0];
	_ =	sdelay $0x4  }
0xab: {  	v2 =	vshrl.u32 v1, $0xE;
	v1 =	vand.u32 $0x3FFF, v1  }
0xac: {  	[tilespmem:$0x2940] =	vst v2  }
0xad: {  	[tilespmem:$0x29C0] =	vst v1  }
0xae: {  	v1 =	vld [tilespmem:s24+$0xD0];
	_ =	sdelay $0x4  }
0xaf: {  	v2 =	vshrl.u32 v1, $0xE;
	v1 =	vand.u32 $0x3FFF, v1  }
0xb0: {  	[tilespmem:$0x2950] =	vst v2  }
0xb1: {  	[tilespmem:$0x29D0] =	vst v1  }
0xb2: {  	v1 =	vld [tilespmem:s24+$0xE0];
	_ =	sdelay $0x4  }
0xb3: {  	v2 =	vshrl.u32 v1, $0xE;
	v1 =	vand.u32 $0x3FFF, v1  }
0xb4: {  	[tilespmem:$0x2960] =	vst v2  }
0xb5: {  	[tilespmem:$0x29E0] =	vst v1  }
0xb6: {  	v1 =	vld [tilespmem:s24+$0xF0];
	_ =	sdelay $0x4  }
0xb7: {  	v2 =	vshrl.u32 v1, $0xE;
	v1 =	vand.u32 $0x3FFF, v1  }
0xb8: {  	[tilespmem:$0x2970] =	vst v2  }
0xb9: {  	[tilespmem:$0x29F0] =	vst v1  }
0xba: {  	[tilespmem:s18], [sflag:$0x2] =	stream.indirect.gather [hbm4b:s4+s15], $0x80, s17, s15, $0xb8;
	[tilespmem:$0x1EC00] =	vst v63  }
0xbb: {  	_ =	swait.ge [sflag:s19], $0x4000  }
0xbc: {  	[sflag:s19] =	ssyncset.done $0x0  }
0xbd: {  	[sflag:s19] =	ssyncadd.s32 $0xFFFFC000  }
0xbe: {  	[spmem:s2] =	stream.indirect.scatter.add.f32 [tilespmem:s13], [sflag:$0x3], $0x80, s20, s15, $0xb8;
	[tilespmem:$0x1EC00] =	vst v63  }
0xbf: {  	_ =	swait.ge [sflag:s14], $0x4000  }
0xc0: {  	[sflag:s14] =	ssyncset.done $0x0  }
0xc1: {  	[sflag:s14] =	ssyncadd.s32 $0xFFFFC000  }
0xc2: {  	v1 =	vld [tilespmem:s24+$0x100];
	_ =	sdelay $0x4  }
0xc3: {  	v2 =	vshrl.u32 v1, $0xE;
	v1 =	vand.u32 $0x3FFF, v1  }
0xc4: {  	[tilespmem:$0x2800] =	vst v2  }
0xc5: {  	[tilespmem:$0x2880] =	vst v1  }
0xc6: {  	v1 =	vld [tilespmem:s24+$0x110];
	_ =	sdelay $0x4  }
0xc7: {  	v2 =	vshrl.u32 v1, $0xE;
	v1 =	vand.u32 $0x3FFF, v1  }
0xc8: {  	[tilespmem:$0x2810] =	vst v2  }
0xc9: {  	[tilespmem:$0x2890] =	vst v1  }
0xca: {  	v1 =	vld [tilespmem:s24+$0x120];
	_ =	sdelay $0x4  }
0xcb: {  	v2 =	vshrl.u32 v1, $0xE;
	v1 =	vand.u32 $0x3FFF, v1  }
0xcc: {  	[tilespmem:$0x2820] =	vst v2  }
0xcd: {  	[tilespmem:$0x28A0] =	vst v1  }
0xce: {  	v1 =	vld [tilespmem:s24+$0x130];
	_ =	sdelay $0x4  }
0xcf: {  	v2 =	vshrl.u32 v1, $0xE;
	v1 =	vand.u32 $0x3FFF, v1  }
0xd0: {  	[tilespmem:$0x2830] =	vst v2  }
0xd1: {  	[tilespmem:$0x28B0] =	vst v1  }
0xd2: {  	v1 =	vld [tilespmem:s24+$0x140];
	_ =	sdelay $0x4  }
0xd3: {  	v2 =	vshrl.u32 v1, $0xE;
	v1 =	vand.u32 $0x3FFF, v1  }
0xd4: {  	[tilespmem:$0x2840] =	vst v2  }
0xd5: {  	[tilespmem:$0x28C0] =	vst v1  }
0xd6: {  	v1 =	vld [tilespmem:s24+$0x150];
	_ =	sdelay $0x4  }
0xd7: {  	v2 =	vshrl.u32 v1, $0xE;
	v1 =	vand.u32 $0x3FFF, v1  }
0xd8: {  	[tilespmem:$0x2850] =	vst v2  }
0xd9: {  	[tilespmem:$0x28D0] =	vst v1  }
0xda: {  	v1 =	vld [tilespmem:s24+$0x160];
	_ =	sdelay $0x1  }
.Ltmp1:
0xdb: {  	(pc) =	sbr.rel @p0 .LBB2_4-.Ltmp1, $3  }
0xdc: {  	_ =	sdelay $0x1  }
0xdd: {  	v2 =	vshrl.u32 v1, $0xE;
	v1 =	vand.u32 $0x3FFF, v1  }
0xde: {  	[tilespmem:$0x2860] =	vst v2  }
0xdf: {  	[tilespmem:$0x28E0] =	vst v1  }
0xe0: {  	v1 =	vld [tilespmem:s24+$0x170];
	_ =	sdelay $0x4  }
0xe1: {  	v2 =	vshrl.u32 v1, $0xE  }
0xe2: {  	v1 =	vand.u32 $0x3FFF, v1;
	[tilespmem:$0x2870] =	vst v2  }
0xe3: {  	[tilespmem:$0x28F0] =	vst v1  }
0xe4: {  	[tilespmem:s13], [sflag:$0x1] =	stream.indirect.gather [hbm4b:s4+s15], $0x80, s16, s15, $0xb8;
	[tilespmem:$0x1EC00] =	vst v63  }
0xe5: {  	_ =	swait.ge [sflag:s21], $0x4000  }
0xe6: {  	[sflag:s21] =	ssyncset.done $0x0  }
0xe7: {  	[sflag:s21] =	ssyncadd.s32 $0xFFFFC000  }
0xe8: {  	[spmem:s2] =	stream.indirect.scatter.add.f32 [tilespmem:s18], [sflag:$0x3], $0x80, s22, s15, $0xb8;
	[tilespmem:$0x1EC00] =	vst v63  }
0xe9: {  	_ =	swait.ge [sflag:s14], $0x4000  }
0xea: {  	[sflag:s14] =	ssyncset.done $0x0  }
0xeb: {  	[sflag:s14] =	ssyncadd.s32 $0xFFFFC000  }
0xec: {  	v1 =	vld [tilespmem:$0x2780];
	_ =	sdelay $0x1  }
0xed: {  	v2 =	vld [tilespmem:$0x2790];
	_ =	sdelay $0x1  }
0xee: {  	v3 =	vld [tilespmem:$0x27A0]  }
0xef: {  	v4 =	vshrl.u32 v1, $0xE  }
0xf0: {  	v62 =	vld [tilespmem:$0x27B0];
	v1 =	vand.u32 $0x3FFF, v1;
	[tilespmem:$0x2900] =	vst v4  }
0xf1: {  	[tilespmem:$0x2980] =	vst v1;
	v1 =	vshrl.u32 v2, $0xE  }
0xf2: {  	[tilespmem:$0x2910] =	vst v1;
	v1 =	vand.u32 $0x3FFF, v2;
	v2 =	vld [tilespmem:$0x27C0]  }
0xf3: {  	[tilespmem:$0x2990] =	vst v1;
	v1 =	vshrl.u32 v3, $0xE  }
0xf4: {  	[tilespmem:$0x2920] =	vst v1;
	v1 =	vand.u32 $0x3FFF, v3;
	v3 =	vld [tilespmem:$0x27D0]  }
0xf5: {  	[tilespmem:$0x29A0] =	vst v1;
	v1 =	vshrl.u32 v62, $0xE  }
0xf6: {  	v63 =	vld [tilespmem:$0x27E0];
	[tilespmem:$0x2930] =	vst v1;
	v1 =	vand.u32 $0x3FFF, v62  }
0xf7: {  	[tilespmem:$0x29B0] =	vst v1;
	v1 =	vshrl.u32 v2, $0xE  }
0xf8: {  	[tilespmem:$0x2940] =	vst v1;
	v1 =	vand.u32 $0x3FFF, v2;
	v2 =	vld [tilespmem:$0x27F0]  }
0xf9: {  	[tilespmem:$0x29C0] =	vst v1;
	v1 =	vshrl.u32 v3, $0xE  }
0xfa: {  	[tilespmem:$0x2950] =	vst v1;
	v1 =	vand.u32 $0x3FFF, v3  }
0xfb: {  	[tilespmem:$0x29D0] =	vst v1;
	v1 =	vshrl.u32 v63, $0xE  }
0xfc: {  	[tilespmem:$0x2960] =	vst v1;
	v1 =	vand.u32 $0x3FFF, v63  }
0xfd: {  	[tilespmem:$0x29E0] =	vst v1;
	v1 =	vshrl.u32 v2, $0xE  }
0xfe: {  	[tilespmem:$0x2970] =	vst v1;
	v1 =	vand.u32 $0x3FFF, v2  }
0xff: {  	[tilespmem:$0x29F0] =	vst v1  }
0x100: {  	[tilespmem:s18], [sflag:$0x2] =	stream.indirect.gather [hbm4b:s4+s15], $0x80, s17, s15, $0xb8;
	[tilespmem:$0x1EC00] =	vst v63  }
0x101: {  	_ =	swait.ge [sflag:s19], $0x4000  }
0x102: {  	[sflag:s19] =	ssyncset.done $0x0  }
0x103: {  	[sflag:s19] =	ssyncadd.s32 $0xFFFFC000  }
0x104: {  	[spmem:s2] =	stream.indirect.scatter.add.f32 [tilespmem:s13], [sflag:$0x3], $0x80, s20, s15, $0xb8;
	[tilespmem:$0x1EC00] =	vst v63  }
0x105: {  	_ =	swait.ge [sflag:s14], $0x4000  }
0x106: {  	[sflag:s14] =	ssyncset.done $0x0  }
0x107: {  	[sflag:s14] =	ssyncadd.s32 $0xFFFFC000  }
0x108: {  	_ =	swait.ge [sflag:s21], $0x4000  }
0x109: {  	[sflag:s21] =	ssyncset.done $0x0  }
0x10a: {  	[sflag:s21] =	ssyncadd.s32 $0xFFFFC000  }
0x10b: {  	[spmem:s2] =	stream.indirect.scatter.add.f32 [tilespmem:s18], [sflag:$0x3], $0x80, s22, s15, $0xb8;
	[tilespmem:$0x1EC00] =	vst v63  }
0x10c: {  	_ =	swait.ge [sflag:s14], $0x4000  }
0x10d: {  	s31 =	sshll.u32 s1, $0x6;
	s23 =	sadd.s32 $0x1, s23;
	[sflag:s14] =	ssyncset.done $0x0  }
0x10e: {  	s25 =	sshrl.u32 s5, $0x3;
	p0 =	sne.s32 s23, s12;
	[sflag:s14] =	ssyncadd.s32 $0xFFFFC000  }
.Ltmp2:
0x10f: {  	s24 =	sor.u32 $0x1C03, s31;
	[bflag:$0x0] =	sbarrier.arrive $0xFFFF;
	(pc) =	sbr.rel @p0 .LBB2_1-.Ltmp2, $4  }
0x110: {  	[hbm:s11], [sflag:s24] =	dma.local [spmem:s25], $0x2800  }
0x111: {  	_ =	swait.ge [sflag:s14], $0x2800  }
0x112: {  	[sflag:s14] =	ssyncset.done $0x0  }
0x113: {  	[sflag:s14] =	ssyncadd.s32 $0xFFFFD800  }
0x114: {  	_ =	sfence.sel $0x180000  }
0x115: {  	[bflag:$0x0] =	sbarrier.arrive $0xFFFF  }
0x116: {  	p0 =	sne.s32 s1, $0x0;
	_ =	strace $0x90000047  }
0x117: {  	s0 =	sadd.s32 @!p0 $0x100000, s0;
	[bflag:$0x2] =	sbarrier.arrive $0xFFFF  }
0x118: {  	[sflag:s0] =	ssyncadd.tile.s32 @!p0 $0x1;
	_ =	shalt  }
.Lfunc_end2:
_tile_overlayer_lowered:
.L_overlay_start_2:
0x119: {  	(tag) =	ssettag $0x2  }
0x11a: {  	s0 =	rddreg [dreg:$0x0];
	s2 =	stileid.u32  }
0x11b: {  	s1 =	rddreg [dreg:$0x1];
	p0 =	sne.s32 s2, $0x0  }
0x11c: {  	s3 =	rddreg [dreg:$0x2];
	[bflag:$0x3] =	sbarrier.arrive $0xFFFF;
	s2 =	simm.s32 @!p0 $0x1C03  }
0x11d: {  	[timem:s3], [sflag:s2] =	dma.local @!p0 [hbm:s0], s1  }
0x11e: {  	s0 =	simm.s32 @!p0 $0x3  }
0x11f: {  	_ =	swait.ge @!p0 [sflag:s0], s1  }
0x120: {  	s1 =	ssub.s32 @!p0 $0x0, s1;
	[sflag:s0] =	ssyncset.done @!p0 $0x0  }
0x121: {  	[sflag:s0] =	ssyncadd.s32 @!p0 s1  }
0x122: {  	[bflag:$0x3] =	sbarrier.arrive $0xFFFF  }
0x123: {  	_ =	shalt  }

</sc_bundles>
